<compile_context>
chip_gen: v7x
topology: tpu7x:2x2x1
jax: 0.10.2.dev20260603
libtpu: 0.0.44.dev20260713+nightly
codegen_flags: <defaults>
</compile_context>

<pallas_src>
import functools

import jax
import jax.numpy as jnp
from jax import lax
from jax.experimental import pallas as pl
from jax.experimental.pallas import tpu as pltpu
from jax.experimental.pallas import tpu_sc as plsc

NUM_HEADS = 16
T = 256
NC, NS, L = 2, 16, 16
NW = NC * NS
RPW = T // NW
GROUPS = RPW * T // L
TAB = 961 * NUM_HEADS

_mesh = plsc.VectorSubcoreMesh(core_axis_name="c", subcore_axis_name="s")


@functools.partial(
    pl.kernel,
    mesh=_mesh,
    compiler_params=pltpu.CompilerParams(
        needs_layout_passes=False, use_tc_tiling_on_sc=True
    ),
    out_type=jax.ShapeDtypeStruct((1, NUM_HEADS, T, T), jnp.float32),
    scratch_types=[
        pltpu.VMEM((NUM_HEADS, 961), jnp.float32),
        pltpu.VMEM((RPW, T), jnp.int32),
        pltpu.VMEM((NUM_HEADS, RPW, T), jnp.float32),
        pltpu.SemaphoreType.DMA,
        pltpu.SemaphoreType.DMA,
        pltpu.SemaphoreType.DMA,
        pltpu.SemaphoreType.DMA,
    ],
)
def _gather_bias(tab_hbm, idx_hbm, out_hbm, tabv, idxv, outv, st, si, so0, so1):
    wid = lax.axis_index("s") * NC + lax.axis_index("c")
    row0 = wid * RPW
    ct = pltpu.async_copy(tab_hbm, tabv, st)
    ci = pltpu.async_copy(idx_hbm.at[pl.ds(row0, RPW)], idxv, si)
    ci.wait()
    ct.wait()

    hsplat = [jnp.full((L,), h, jnp.int32) for h in range(NUM_HEADS)]

    def half(c0):
        def body(g, c):
            r = g >> 3
            col = c0 + (g & 7) * L
            ivec = idxv[r, pl.ds(col, L)]
            vals = [
                plsc.load_gather(tabv, [hsplat[h], ivec])
                for h in range(NUM_HEADS)
            ]
            for h in range(NUM_HEADS):
                outv[h, r, pl.ds(col, L)] = vals[h]
            return c

        lax.fori_loop(0, GROUPS // 2, body, 0)

    half(0)
    co0 = pltpu.async_copy(
        outv.at[:, :, pl.ds(0, 128)],
        out_hbm.at[0, :, pl.ds(row0, RPW), pl.ds(0, 128)],
        so0,
    )
    half(128)
    co1 = pltpu.async_copy(
        outv.at[:, :, pl.ds(128, 128)],
        out_hbm.at[0, :, pl.ds(row0, RPW), pl.ds(128, 128)],
        so1,
    )
    co0.wait()
    co1.wait()


def kernel(relative_position_bias_table, relative_position_index):
    tab = relative_position_bias_table.T
    return _gather_bias(tab, relative_position_index)

# --- scband reference (transcript-rebuilt; emitter-appended) ---
"""Pipeline reference for scband-relative-position-bias-32624571581015 (READ-ONLY COPY).

The authoritative reference and input builder live on the scoring server;
editing this copy changes nothing except your own understanding.
"""

import jax, jax.numpy as jnp
import numpy as np

WINDOW_SIZE = 16
NUM_HEADS = 16


def _create_position_index(ws):
    coords_h = np.arange(ws)
    coords_w = np.arange(ws)
    coords = np.stack(np.meshgrid(coords_h, coords_w, indexing='ij'))  # (2, ws, ws)
    coords_flatten = coords.reshape(2, -1)  # (2, T)
    relative_coords = coords_flatten[:, :, None] - coords_flatten[:, None, :]  # (2, T, T)
    relative_coords = relative_coords.transpose(1, 2, 0).copy()  # (T, T, 2)
    relative_coords += ws - 1
    relative_coords[:, :, 0] *= 2 * ws - 1
    return relative_coords.sum(-1)  # (T, T)


def setup_inputs(seed: int = 0) -> dict:
    key = jax.random.key(seed)
    num_entries = (2 * WINDOW_SIZE - 1) * (2 * WINDOW_SIZE - 1)  # 961
    # trunc_normal(std=0.02) approximated with clipped normal
    table = jnp.clip(jax.random.normal(key, (num_entries, NUM_HEADS), dtype=jnp.float32) * 0.02, -0.04, 0.04)
    rel_index = jnp.asarray(_create_position_index(WINDOW_SIZE), dtype=jnp.int32)  # (256, 256)
    return {
        'relative_position_bias_table': table,
        'relative_position_index': rel_index,
    }


def reference(relative_position_bias_table, relative_position_index):
    T = WINDOW_SIZE * WINDOW_SIZE
    flat_idx = relative_position_index.reshape(-1)  # (T*T,)
    bias = jnp.take(relative_position_bias_table, flat_idx, axis=0)  # (T*T, num_heads)
    bias = bias.reshape(T, T, -1)  # (T, T, num_heads)
    bias = jnp.transpose(bias, (2, 0, 1))  # (num_heads, T, T)
    return bias[None]  # (1, num_heads, T, T)

if __name__ == "__main__":
    import jax
    _d = setup_inputs()
    print(jax.jit(kernel)(*tuple(_d.values())))

</pallas_src>

<mosaic_0001>
#map = affine_map<(d0, d1) -> (0, 0)>
#map1 = affine_map<(d0, d1) -> (0, 0, 0, 0)>
module attributes {stable_mosaic.version = 14 : i64} {
  func.func @_gather_bias(%arg0: i32, %arg1: i32, %arg2: memref<16x961xf32, #tpu.memory_space<hbm>>, %arg3: memref<256x256xi32, #tpu.memory_space<hbm>>, %arg4: memref<1x16x256x256xf32, #tpu.memory_space<hbm>>, %arg5: memref<16x961xf32, #tpu.memory_space<vmem>>, %arg6: memref<8x256xi32, #tpu.memory_space<vmem>>, %arg7: memref<16x8x256xf32, #tpu.memory_space<vmem>>, %arg8: memref<!tpu.dma_semaphore, #tpu.memory_space<semaphore_mem>>, %arg9: memref<!tpu.dma_semaphore, #tpu.memory_space<semaphore_mem>>, %arg10: memref<!tpu.dma_semaphore, #tpu.memory_space<semaphore_mem>>, %arg11: memref<!tpu.dma_semaphore, #tpu.memory_space<semaphore_mem>>) attributes {dimension_semantics = [#tpu.dimension_semantics<core_parallel>, #tpu.dimension_semantics<subcore_parallel>], iteration_bounds = array<i64: 2, 16>, scalar_prefetch = 0 : i64, scratch_operands = 7 : i64, tpu.core_type = #tpu.core_type<sc_vector_subcore>, window_params = [{transform_indices = #map}, {transform_indices = #map}, {transform_indices = #map1}]} {
    %mul3A = arith.constant 2 : i32
    %mul3A_0 = arith.muli %arg1, %mul3A : i32
    %add3A = arith.addi %mul3A_0, %arg0 : i32
    %mul3A_1 = arith.constant 8 : i32
    %mul3A_2 = arith.muli %add3A, %mul3A_1 : i32
    tpu.enqueue_dma source(%arg2 : memref<16x961xf32, #tpu.memory_space<hbm>>) target(%arg5 : memref<16x961xf32, #tpu.memory_space<vmem>>) target_semaphore(%arg8 : memref<!tpu.dma_semaphore, #tpu.memory_space<semaphore_mem>>)
    %dma_start3A = arith.constant 0 : i32
    %dma_start3A_3 = tpu.memref_slice %arg3[%mul3A_2, %dma_start3A] : memref<256x256xi32, #tpu.memory_space<hbm>> -> memref<8x256xi32, #tpu.memory_space<hbm>>
    %dma_start3A_4 = arith.constant 0 : i32
    %dma_start3A_5 = tpu.memref_slice %arg3[%mul3A_2, %dma_start3A_4] : memref<256x256xi32, #tpu.memory_space<hbm>> -> memref<8x256xi32, #tpu.memory_space<hbm>>
    tpu.enqueue_dma source(%dma_start3A_5 : memref<8x256xi32, #tpu.memory_space<hbm>>) target(%arg6 : memref<8x256xi32, #tpu.memory_space<vmem>>) target_semaphore(%arg9 : memref<!tpu.dma_semaphore, #tpu.memory_space<semaphore_mem>>)
    %dma_wait3A = arith.constant 0 : i32
    %dma_wait3A_6 = tpu.memref_slice %arg3[%mul3A_2, %dma_wait3A] : memref<256x256xi32, #tpu.memory_space<hbm>> -> memref<8x256xi32, #tpu.memory_space<hbm>>
    %dma_wait3A_7 = arith.constant 0 : i32
    %dma_wait3A_8 = tpu.memref_slice %arg3[%mul3A_2, %dma_wait3A_7] : memref<256x256xi32, #tpu.memory_space<hbm>> -> memref<8x256xi32, #tpu.memory_space<hbm>>
    tpu.wait_dma2 semaphore(%arg9 : memref<!tpu.dma_semaphore, #tpu.memory_space<semaphore_mem>>) src(%dma_wait3A_8 : memref<8x256xi32, #tpu.memory_space<hbm>>) dst(%arg6 : memref<8x256xi32, #tpu.memory_space<vmem>>)
    tpu.wait_dma2 semaphore(%arg8 : memref<!tpu.dma_semaphore, #tpu.memory_space<semaphore_mem>>) src(%arg2 : memref<16x961xf32, #tpu.memory_space<hbm>>) dst(%arg5 : memref<16x961xf32, #tpu.memory_space<vmem>>)
    %broadcast_in_dim3A = arith.constant 0 : i32
    %broadcast_in_dim3A_9 = vector.broadcast %broadcast_in_dim3A : i32 to vector<16xi32>
    %broadcast_in_dim3A_10 = arith.constant 1 : i32
    %broadcast_in_dim3A_11 = vector.broadcast %broadcast_in_dim3A_10 : i32 to vector<16xi32>
    %broadcast_in_dim3A_12 = arith.constant 2 : i32
    %broadcast_in_dim3A_13 = vector.broadcast %broadcast_in_dim3A_12 : i32 to vector<16xi32>
    %broadcast_in_dim3A_14 = arith.constant 3 : i32
    %broadcast_in_dim3A_15 = vector.broadcast %broadcast_in_dim3A_14 : i32 to vector<16xi32>
    %broadcast_in_dim3A_16 = arith.constant 4 : i32
    %broadcast_in_dim3A_17 = vector.broadcast %broadcast_in_dim3A_16 : i32 to vector<16xi32>
    %broadcast_in_dim3A_18 = arith.constant 5 : i32
    %broadcast_in_dim3A_19 = vector.broadcast %broadcast_in_dim3A_18 : i32 to vector<16xi32>
    %broadcast_in_dim3A_20 = arith.constant 6 : i32
    %broadcast_in_dim3A_21 = vector.broadcast %broadcast_in_dim3A_20 : i32 to vector<16xi32>
    %broadcast_in_dim3A_22 = arith.constant 7 : i32
    %broadcast_in_dim3A_23 = vector.broadcast %broadcast_in_dim3A_22 : i32 to vector<16xi32>
    %broadcast_in_dim3A_24 = arith.constant 8 : i32
    %broadcast_in_dim3A_25 = vector.broadcast %broadcast_in_dim3A_24 : i32 to vector<16xi32>
    %broadcast_in_dim3A_26 = arith.constant 9 : i32
    %broadcast_in_dim3A_27 = vector.broadcast %broadcast_in_dim3A_26 : i32 to vector<16xi32>
    %broadcast_in_dim3A_28 = arith.constant 10 : i32
    %broadcast_in_dim3A_29 = vector.broadcast %broadcast_in_dim3A_28 : i32 to vector<16xi32>
    %broadcast_in_dim3A_30 = arith.constant 11 : i32
    %broadcast_in_dim3A_31 = vector.broadcast %broadcast_in_dim3A_30 : i32 to vector<16xi32>
    %broadcast_in_dim3A_32 = arith.constant 12 : i32
    %broadcast_in_dim3A_33 = vector.broadcast %broadcast_in_dim3A_32 : i32 to vector<16xi32>
    %broadcast_in_dim3A_34 = arith.constant 13 : i32
    %broadcast_in_dim3A_35 = vector.broadcast %broadcast_in_dim3A_34 : i32 to vector<16xi32>
    %broadcast_in_dim3A_36 = arith.constant 14 : i32
    %broadcast_in_dim3A_37 = vector.broadcast %broadcast_in_dim3A_36 : i32 to vector<16xi32>
    %broadcast_in_dim3A_38 = arith.constant 15 : i32
    %broadcast_in_dim3A_39 = vector.broadcast %broadcast_in_dim3A_38 : i32 to vector<16xi32>
    %scan3A = arith.constant 0 : i32
    %scan3A_40 = arith.constant 0 : i32
    %scan3A_41 = arith.constant 64 : i32
    %scan3A_42 = arith.addi %scan3A_40, %scan3A_41 : i32
    %scan3A_43 = arith.constant 1 : i32
    scf.for %scan3A_119 = %scan3A_40 to %scan3A_42 step %scan3A_43  : i32 {
      %shift_right_arithmetic3A = arith.constant 3 : i32
      %shift_right_arithmetic3A_120 = arith.shrsi %scan3A_119, %shift_right_arithmetic3A : i32
      %and3A = arith.constant 7 : i32
      %and3A_121 = arith.andi %scan3A_119, %and3A : i32
      %mul3A_122 = arith.constant 16 : i32
      %mul3A_123 = arith.muli %and3A_121, %mul3A_122 : i32
      %add3A_124 = arith.constant 0 : i32
      %add3A_125 = arith.addi %add3A_124, %mul3A_123 : i32
      %get3A = arith.index_cast %shift_right_arithmetic3A_120 : i32 to index
      %get3A_126 = arith.index_cast %add3A_125 : i32 to index
      %get3A_127 = tpu.vector_load %arg6[%get3A, %get3A_126] {strides = array<i32>} : memref<8x256xi32, #tpu.memory_space<vmem>>, vector<16xi32>,
      %gather3A = tpu.vector_load_idx %arg5[%broadcast_in_dim3A_9, %get3A_127] : memref<16x961xf32, #tpu.memory_space<vmem>>[vector<16xi32>, vector<16xi32>], vector<16xf32>,
      %gather3A_128 = tpu.vector_load_idx %arg5[%broadcast_in_dim3A_11, %get3A_127] : memref<16x961xf32, #tpu.memory_space<vmem>>[vector<16xi32>, vector<16xi32>], vector<16xf32>,
      %gather3A_129 = tpu.vector_load_idx %arg5[%broadcast_in_dim3A_13, %get3A_127] : memref<16x961xf32, #tpu.memory_space<vmem>>[vector<16xi32>, vector<16xi32>], vector<16xf32>,
      %gather3A_130 = tpu.vector_load_idx %arg5[%broadcast_in_dim3A_15, %get3A_127] : memref<16x961xf32, #tpu.memory_space<vmem>>[vector<16xi32>, vector<16xi32>], vector<16xf32>,
      %gather3A_131 = tpu.vector_load_idx %arg5[%broadcast_in_dim3A_17, %get3A_127] : memref<16x961xf32, #tpu.memory_space<vmem>>[vector<16xi32>, vector<16xi32>], vector<16xf32>,
      %gather3A_132 = tpu.vector_load_idx %arg5[%broadcast_in_dim3A_19, %get3A_127] : memref<16x961xf32, #tpu.memory_space<vmem>>[vector<16xi32>, vector<16xi32>], vector<16xf32>,
      %gather3A_133 = tpu.vector_load_idx %arg5[%broadcast_in_dim3A_21, %get3A_127] : memref<16x961xf32, #tpu.memory_space<vmem>>[vector<16xi32>, vector<16xi32>], vector<16xf32>,
      %gather3A_134 = tpu.vector_load_idx %arg5[%broadcast_in_dim3A_23, %get3A_127] : memref<16x961xf32, #tpu.memory_space<vmem>>[vector<16xi32>, vector<16xi32>], vector<16xf32>,
      %gather3A_135 = tpu.vector_load_idx %arg5[%broadcast_in_dim3A_25, %get3A_127] : memref<16x961xf32, #tpu.memory_space<vmem>>[vector<16xi32>, vector<16xi32>], vector<16xf32>,
      %gather3A_136 = tpu.vector_load_idx %arg5[%broadcast_in_dim3A_27, %get3A_127] : memref<16x961xf32, #tpu.memory_space<vmem>>[vector<16xi32>, vector<16xi32>], vector<16xf32>,
      %gather3A_137 = tpu.vector_load_idx %arg5[%broadcast_in_dim3A_29, %get3A_127] : memref<16x961xf32, #tpu.memory_space<vmem>>[vector<16xi32>, vector<16xi32>], vector<16xf32>,
      %gather3A_138 = tpu.vector_load_idx %arg5[%broadcast_in_dim3A_31, %get3A_127] : memref<16x961xf32, #tpu.memory_space<vmem>>[vector<16xi32>, vector<16xi32>], vector<16xf32>,
      %gather3A_139 = tpu.vector_load_idx %arg5[%broadcast_in_dim3A_33, %get3A_127] : memref<16x961xf32, #tpu.memory_space<vmem>>[vector<16xi32>, vector<16xi32>], vector<16xf32>,
      %gather3A_140 = tpu.vector_load_idx %arg5[%broadcast_in_dim3A_35, %get3A_127] : memref<16x961xf32, #tpu.memory_space<vmem>>[vector<16xi32>, vector<16xi32>], vector<16xf32>,
      %gather3A_141 = tpu.vector_load_idx %arg5[%broadcast_in_dim3A_37, %get3A_127] : memref<16x961xf32, #tpu.memory_space<vmem>>[vector<16xi32>, vector<16xi32>], vector<16xf32>,
      %gather3A_142 = tpu.vector_load_idx %arg5[%broadcast_in_dim3A_39, %get3A_127] : memref<16x961xf32, #tpu.memory_space<vmem>>[vector<16xi32>, vector<16xi32>], vector<16xf32>,
      %swap3A = arith.constant 0 : i32
      %swap3A_143 = arith.index_cast %swap3A : i32 to index
      %swap3A_144 = arith.index_cast %shift_right_arithmetic3A_120 : i32 to index
      %swap3A_145 = arith.index_cast %add3A_125 : i32 to index
      %swap3A_146 = tpu.vector_load %arg7[%swap3A_143, %swap3A_144, %swap3A_145] {strides = array<i32>} : memref<16x8x256xf32, #tpu.memory_space<vmem>>, vector<16xf32>,
      tpu.vector_store %arg7[%swap3A_143, %swap3A_144, %swap3A_145], %gather3A {strides = array<i32>} : memref<16x8x256xf32, #tpu.memory_space<vmem>>, vector<16xf32>,
      %swap3A_147 = arith.constant 1 : i32
      %swap3A_148 = arith.index_cast %swap3A_147 : i32 to index
      %swap3A_149 = arith.index_cast %shift_right_arithmetic3A_120 : i32 to index
      %swap3A_150 = arith.index_cast %add3A_125 : i32 to index
      %swap3A_151 = tpu.vector_load %arg7[%swap3A_148, %swap3A_149, %swap3A_150] {strides = array<i32>} : memref<16x8x256xf32, #tpu.memory_space<vmem>>, vector<16xf32>,
      tpu.vector_store %arg7[%swap3A_148, %swap3A_149, %swap3A_150], %gather3A_128 {strides = array<i32>} : memref<16x8x256xf32, #tpu.memory_space<vmem>>, vector<16xf32>,
      %swap3A_152 = arith.constant 2 : i32
      %swap3A_153 = arith.index_cast %swap3A_152 : i32 to index
      %swap3A_154 = arith.index_cast %shift_right_arithmetic3A_120 : i32 to index
      %swap3A_155 = arith.index_cast %add3A_125 : i32 to index
      %swap3A_156 = tpu.vector_load %arg7[%swap3A_153, %swap3A_154, %swap3A_155] {strides = array<i32>} : memref<16x8x256xf32, #tpu.memory_space<vmem>>, vector<16xf32>,
      tpu.vector_store %arg7[%swap3A_153, %swap3A_154, %swap3A_155], %gather3A_129 {strides = array<i32>} : memref<16x8x256xf32, #tpu.memory_space<vmem>>, vector<16xf32>,
      %swap3A_157 = arith.constant 3 : i32
      %swap3A_158 = arith.index_cast %swap3A_157 : i32 to index
      %swap3A_159 = arith.index_cast %shift_right_arithmetic3A_120 : i32 to index
      %swap3A_160 = arith.index_cast %add3A_125 : i32 to index
      %swap3A_161 = tpu.vector_load %arg7[%swap3A_158, %swap3A_159, %swap3A_160] {strides = array<i32>} : memref<16x8x256xf32, #tpu.memory_space<vmem>>, vector<16xf32>,
      tpu.vector_store %arg7[%swap3A_158, %swap3A_159, %swap3A_160], %gather3A_130 {strides = array<i32>} : memref<16x8x256xf32, #tpu.memory_space<vmem>>, vector<16xf32>,
      %swap3A_162 = arith.constant 4 : i32
      %swap3A_163 = arith.index_cast %swap3A_162 : i32 to index
      %swap3A_164 = arith.index_cast %shift_right_arithmetic3A_120 : i32 to index
      %swap3A_165 = arith.index_cast %add3A_125 : i32 to index
      %swap3A_166 = tpu.vector_load %arg7[%swap3A_163, %swap3A_164, %swap3A_165] {strides = array<i32>} : memref<16x8x256xf32, #tpu.memory_space<vmem>>, vector<16xf32>,
      tpu.vector_store %arg7[%swap3A_163, %swap3A_164, %swap3A_165], %gather3A_131 {strides = array<i32>} : memref<16x8x256xf32, #tpu.memory_space<vmem>>, vector<16xf32>,
      %swap3A_167 = arith.constant 5 : i32
      %swap3A_168 = arith.index_cast %swap3A_167 : i32 to index
      %swap3A_169 = arith.index_cast %shift_right_arithmetic3A_120 : i32 to index
      %swap3A_170 = arith.index_cast %add3A_125 : i32 to index
      %swap3A_171 = tpu.vector_load %arg7[%swap3A_168, %swap3A_169, %swap3A_170] {strides = array<i32>} : memref<16x8x256xf32, #tpu.memory_space<vmem>>, vector<16xf32>,
      tpu.vector_store %arg7[%swap3A_168, %swap3A_169, %swap3A_170], %gather3A_132 {strides = array<i32>} : memref<16x8x256xf32, #tpu.memory_space<vmem>>, vector<16xf32>,
      %swap3A_172 = arith.constant 6 : i32
      %swap3A_173 = arith.index_cast %swap3A_172 : i32 to index
      %swap3A_174 = arith.index_cast %shift_right_arithmetic3A_120 : i32 to index
      %swap3A_175 = arith.index_cast %add3A_125 : i32 to index
      %swap3A_176 = tpu.vector_load %arg7[%swap3A_173, %swap3A_174, %swap3A_175] {strides = array<i32>} : memref<16x8x256xf32, #tpu.memory_space<vmem>>, vector<16xf32>,
      tpu.vector_store %arg7[%swap3A_173, %swap3A_174, %swap3A_175], %gather3A_133 {strides = array<i32>} : memref<16x8x256xf32, #tpu.memory_space<vmem>>, vector<16xf32>,
      %swap3A_177 = arith.constant 7 : i32
      %swap3A_178 = arith.index_cast %swap3A_177 : i32 to index
      %swap3A_179 = arith.index_cast %shift_right_arithmetic3A_120 : i32 to index
      %swap3A_180 = arith.index_cast %add3A_125 : i32 to index
      %swap3A_181 = tpu.vector_load %arg7[%swap3A_178, %swap3A_179, %swap3A_180] {strides = array<i32>} : memref<16x8x256xf32, #tpu.memory_space<vmem>>, vector<16xf32>,
      tpu.vector_store %arg7[%swap3A_178, %swap3A_179, %swap3A_180], %gather3A_134 {strides = array<i32>} : memref<16x8x256xf32, #tpu.memory_space<vmem>>, vector<16xf32>,
      %swap3A_182 = arith.constant 8 : i32
      %swap3A_183 = arith.index_cast %swap3A_182 : i32 to index
      %swap3A_184 = arith.index_cast %shift_right_arithmetic3A_120 : i32 to index
      %swap3A_185 = arith.index_cast %add3A_125 : i32 to index
      %swap3A_186 = tpu.vector_load %arg7[%swap3A_183, %swap3A_184, %swap3A_185] {strides = array<i32>} : memref<16x8x256xf32, #tpu.memory_space<vmem>>, vector<16xf32>,
      tpu.vector_store %arg7[%swap3A_183, %swap3A_184, %swap3A_185], %gather3A_135 {strides = array<i32>} : memref<16x8x256xf32, #tpu.memory_space<vmem>>, vector<16xf32>,
      %swap3A_187 = arith.constant 9 : i32
      %swap3A_188 = arith.index_cast %swap3A_187 : i32 to index
      %swap3A_189 = arith.index_cast %shift_right_arithmetic3A_120 : i32 to index
      %swap3A_190 = arith.index_cast %add3A_125 : i32 to index
      %swap3A_191 = tpu.vector_load %arg7[%swap3A_188, %swap3A_189, %swap3A_190] {strides = array<i32>} : memref<16x8x256xf32, #tpu.memory_space<vmem>>, vector<16xf32>,
      tpu.vector_store %arg7[%swap3A_188, %swap3A_189, %swap3A_190], %gather3A_136 {strides = array<i32>} : memref<16x8x256xf32, #tpu.memory_space<vmem>>, vector<16xf32>,
      %swap3A_192 = arith.constant 10 : i32
      %swap3A_193 = arith.index_cast %swap3A_192 : i32 to index
      %swap3A_194 = arith.index_cast %shift_right_arithmetic3A_120 : i32 to index
      %swap3A_195 = arith.index_cast %add3A_125 : i32 to index
      %swap3A_196 = tpu.vector_load %arg7[%swap3A_193, %swap3A_194, %swap3A_195] {strides = array<i32>} : memref<16x8x256xf32, #tpu.memory_space<vmem>>, vector<16xf32>,
      tpu.vector_store %arg7[%swap3A_193, %swap3A_194, %swap3A_195], %gather3A_137 {strides = array<i32>} : memref<16x8x256xf32, #tpu.memory_space<vmem>>, vector<16xf32>,
      %swap3A_197 = arith.constant 11 : i32
      %swap3A_198 = arith.index_cast %swap3A_197 : i32 to index
      %swap3A_199 = arith.index_cast %shift_right_arithmetic3A_120 : i32 to index
      %swap3A_200 = arith.index_cast %add3A_125 : i32 to index
      %swap3A_201 = tpu.vector_load %arg7[%swap3A_198, %swap3A_199, %swap3A_200] {strides = array<i32>} : memref<16x8x256xf32, #tpu.memory_space<vmem>>, vector<16xf32>,
      tpu.vector_store %arg7[%swap3A_198, %swap3A_199, %swap3A_200], %gather3A_138 {strides = array<i32>} : memref<16x8x256xf32, #tpu.memory_space<vmem>>, vector<16xf32>,
      %swap3A_202 = arith.constant 12 : i32
      %swap3A_203 = arith.index_cast %swap3A_202 : i32 to index
      %swap3A_204 = arith.index_cast %shift_right_arithmetic3A_120 : i32 to index
      %swap3A_205 = arith.index_cast %add3A_125 : i32 to index
      %swap3A_206 = tpu.vector_load %arg7[%swap3A_203, %swap3A_204, %swap3A_205] {strides = array<i32>} : memref<16x8x256xf32, #tpu.memory_space<vmem>>, vector<16xf32>,
      tpu.vector_store %arg7[%swap3A_203, %swap3A_204, %swap3A_205], %gather3A_139 {strides = array<i32>} : memref<16x8x256xf32, #tpu.memory_space<vmem>>, vector<16xf32>,
      %swap3A_207 = arith.constant 13 : i32
      %swap3A_208 = arith.index_cast %swap3A_207 : i32 to index
      %swap3A_209 = arith.index_cast %shift_right_arithmetic3A_120 : i32 to index
      %swap3A_210 = arith.index_cast %add3A_125 : i32 to index
      %swap3A_211 = tpu.vector_load %arg7[%swap3A_208, %swap3A_209, %swap3A_210] {strides = array<i32>} : memref<16x8x256xf32, #tpu.memory_space<vmem>>, vector<16xf32>,
      tpu.vector_store %arg7[%swap3A_208, %swap3A_209, %swap3A_210], %gather3A_140 {strides = array<i32>} : memref<16x8x256xf32, #tpu.memory_space<vmem>>, vector<16xf32>,
      %swap3A_212 = arith.constant 14 : i32
      %swap3A_213 = arith.index_cast %swap3A_212 : i32 to index
      %swap3A_214 = arith.index_cast %shift_right_arithmetic3A_120 : i32 to index
      %swap3A_215 = arith.index_cast %add3A_125 : i32 to index
      %swap3A_216 = tpu.vector_load %arg7[%swap3A_213, %swap3A_214, %swap3A_215] {strides = array<i32>} : memref<16x8x256xf32, #tpu.memory_space<vmem>>, vector<16xf32>,
      tpu.vector_store %arg7[%swap3A_213, %swap3A_214, %swap3A_215], %gather3A_141 {strides = array<i32>} : memref<16x8x256xf32, #tpu.memory_space<vmem>>, vector<16xf32>,
      %swap3A_217 = arith.constant 15 : i32
      %swap3A_218 = arith.index_cast %swap3A_217 : i32 to index
      %swap3A_219 = arith.index_cast %shift_right_arithmetic3A_120 : i32 to index
      %swap3A_220 = arith.index_cast %add3A_125 : i32 to index
      %swap3A_221 = tpu.vector_load %arg7[%swap3A_218, %swap3A_219, %swap3A_220] {strides = array<i32>} : memref<16x8x256xf32, #tpu.memory_space<vmem>>, vector<16xf32>,
      tpu.vector_store %arg7[%swap3A_218, %swap3A_219, %swap3A_220], %gather3A_142 {strides = array<i32>} : memref<16x8x256xf32, #tpu.memory_space<vmem>>, vector<16xf32>,
    }
    %scan3A_44 = arith.constant 64 : i32
    %dma_start3A_45 = arith.constant 0 : i32
    %dma_start3A_46 = arith.constant 0 : i32
    %dma_start3A_47 = arith.constant 0 : i32
    %dma_start3A_48 = arith.constant 0 : i32
    %dma_start3A_49 = tpu.memref_slice %arg7[%dma_start3A_46, %dma_start3A_47, %dma_start3A_48] : memref<16x8x256xf32, #tpu.memory_space<vmem>> -> memref<16x8x128xf32, #tpu.memory_space<vmem>>
    %dma_start3A_50 = arith.constant 0 : i32
    %dma_start3A_51 = arith.constant 0 : i32
    %dma_start3A_52 = tpu.memref_slice %arg4[%dma_start3A_45, %dma_start3A_50, %mul3A_2, %dma_start3A_51] : memref<1x16x256x256xf32, #tpu.memory_space<hbm>> -> memref<1x16x8x128xf32, #tpu.memory_space<hbm>>
    %dma_start3A_53 = tpu.memref_squeeze %dma_start3A_52 : memref<1x16x8x128xf32, #tpu.memory_space<hbm>> -> memref<16x8x128xf32, #tpu.memory_space<hbm>>
    %dma_start3A_54 = arith.constant 0 : i32
    %dma_start3A_55 = arith.constant 0 : i32
    %dma_start3A_56 = tpu.memref_slice %arg4[%dma_start3A_45, %dma_start3A_54, %mul3A_2, %dma_start3A_55] : memref<1x16x256x256xf32, #tpu.memory_space<hbm>> -> memref<1x16x8x128xf32, #tpu.memory_space<hbm>>
    %dma_start3A_57 = tpu.memref_squeeze %dma_start3A_56 : memref<1x16x8x128xf32, #tpu.memory_space<hbm>> -> memref<16x8x128xf32, #tpu.memory_space<hbm>>
    %dma_start3A_58 = arith.constant 0 : i32
    %dma_start3A_59 = arith.constant 0 : i32
    %dma_start3A_60 = arith.constant 0 : i32
    %dma_start3A_61 = tpu.memref_slice %arg7[%dma_start3A_58, %dma_start3A_59, %dma_start3A_60] : memref<16x8x256xf32, #tpu.memory_space<vmem>> -> memref<16x8x128xf32, #tpu.memory_space<vmem>>
    tpu.enqueue_dma source(%dma_start3A_61 : memref<16x8x128xf32, #tpu.memory_space<vmem>>) target(%dma_start3A_57 : memref<16x8x128xf32, #tpu.memory_space<hbm>>) target_semaphore(%arg10 : memref<!tpu.dma_semaphore, #tpu.memory_space<semaphore_mem>>)
    %scan3A_62 = arith.constant 0 : i32
    %scan3A_63 = arith.constant 0 : i32
    %scan3A_64 = arith.constant 64 : i32
    %scan3A_65 = arith.addi %scan3A_63, %scan3A_64 : i32
    %scan3A_66 = arith.constant 1 : i32
    scf.for %scan3A_119 = %scan3A_63 to %scan3A_65 step %scan3A_66  : i32 {
      %shift_right_arithmetic3A = arith.constant 3 : i32
      %shift_right_arithmetic3A_120 = arith.shrsi %scan3A_119, %shift_right_arithmetic3A : i32
      %and3A = arith.constant 7 : i32
      %and3A_121 = arith.andi %scan3A_119, %and3A : i32
      %mul3A_122 = arith.constant 16 : i32
      %mul3A_123 = arith.muli %and3A_121, %mul3A_122 : i32
      %add3A_124 = arith.constant 128 : i32
      %add3A_125 = arith.addi %add3A_124, %mul3A_123 : i32
      %get3A = arith.index_cast %shift_right_arithmetic3A_120 : i32 to index
      %get3A_126 = arith.index_cast %add3A_125 : i32 to index
      %get3A_127 = tpu.vector_load %arg6[%get3A, %get3A_126] {strides = array<i32>} : memref<8x256xi32, #tpu.memory_space<vmem>>, vector<16xi32>,
      %gather3A = tpu.vector_load_idx %arg5[%broadcast_in_dim3A_9, %get3A_127] : memref<16x961xf32, #tpu.memory_space<vmem>>[vector<16xi32>, vector<16xi32>], vector<16xf32>,
      %gather3A_128 = tpu.vector_load_idx %arg5[%broadcast_in_dim3A_11, %get3A_127] : memref<16x961xf32, #tpu.memory_space<vmem>>[vector<16xi32>, vector<16xi32>], vector<16xf32>,
      %gather3A_129 = tpu.vector_load_idx %arg5[%broadcast_in_dim3A_13, %get3A_127] : memref<16x961xf32, #tpu.memory_space<vmem>>[vector<16xi32>, vector<16xi32>], vector<16xf32>,
      %gather3A_130 = tpu.vector_load_idx %arg5[%broadcast_in_dim3A_15, %get3A_127] : memref<16x961xf32, #tpu.memory_space<vmem>>[vector<16xi32>, vector<16xi32>], vector<16xf32>,
      %gather3A_131 = tpu.vector_load_idx %arg5[%broadcast_in_dim3A_17, %get3A_127] : memref<16x961xf32, #tpu.memory_space<vmem>>[vector<16xi32>, vector<16xi32>], vector<16xf32>,
      %gather3A_132 = tpu.vector_load_idx %arg5[%broadcast_in_dim3A_19, %get3A_127] : memref<16x961xf32, #tpu.memory_space<vmem>>[vector<16xi32>, vector<16xi32>], vector<16xf32>,
      %gather3A_133 = tpu.vector_load_idx %arg5[%broadcast_in_dim3A_21, %get3A_127] : memref<16x961xf32, #tpu.memory_space<vmem>>[vector<16xi32>, vector<16xi32>], vector<16xf32>,
      %gather3A_134 = tpu.vector_load_idx %arg5[%broadcast_in_dim3A_23, %get3A_127] : memref<16x961xf32, #tpu.memory_space<vmem>>[vector<16xi32>, vector<16xi32>], vector<16xf32>,
      %gather3A_135 = tpu.vector_load_idx %arg5[%broadcast_in_dim3A_25, %get3A_127] : memref<16x961xf32, #tpu.memory_space<vmem>>[vector<16xi32>, vector<16xi32>], vector<16xf32>,
      %gather3A_136 = tpu.vector_load_idx %arg5[%broadcast_in_dim3A_27, %get3A_127] : memref<16x961xf32, #tpu.memory_space<vmem>>[vector<16xi32>, vector<16xi32>], vector<16xf32>,
      %gather3A_137 = tpu.vector_load_idx %arg5[%broadcast_in_dim3A_29, %get3A_127] : memref<16x961xf32, #tpu.memory_space<vmem>>[vector<16xi32>, vector<16xi32>], vector<16xf32>,
      %gather3A_138 = tpu.vector_load_idx %arg5[%broadcast_in_dim3A_31, %get3A_127] : memref<16x961xf32, #tpu.memory_space<vmem>>[vector<16xi32>, vector<16xi32>], vector<16xf32>,
      %gather3A_139 = tpu.vector_load_idx %arg5[%broadcast_in_dim3A_33, %get3A_127] : memref<16x961xf32, #tpu.memory_space<vmem>>[vector<16xi32>, vector<16xi32>], vector<16xf32>,
      %gather3A_140 = tpu.vector_load_idx %arg5[%broadcast_in_dim3A_35, %get3A_127] : memref<16x961xf32, #tpu.memory_space<vmem>>[vector<16xi32>, vector<16xi32>], vector<16xf32>,
      %gather3A_141 = tpu.vector_load_idx %arg5[%broadcast_in_dim3A_37, %get3A_127] : memref<16x961xf32, #tpu.memory_space<vmem>>[vector<16xi32>, vector<16xi32>], vector<16xf32>,
      %gather3A_142 = tpu.vector_load_idx %arg5[%broadcast_in_dim3A_39, %get3A_127] : memref<16x961xf32, #tpu.memory_space<vmem>>[vector<16xi32>, vector<16xi32>], vector<16xf32>,
      %swap3A = arith.constant 0 : i32
      %swap3A_143 = arith.index_cast %swap3A : i32 to index
      %swap3A_144 = arith.index_cast %shift_right_arithmetic3A_120 : i32 to index
      %swap3A_145 = arith.index_cast %add3A_125 : i32 to index
      %swap3A_146 = tpu.vector_load %arg7[%swap3A_143, %swap3A_144, %swap3A_145] {strides = array<i32>} : memref<16x8x256xf32, #tpu.memory_space<vmem>>, vector<16xf32>,
      tpu.vector_store %arg7[%swap3A_143, %swap3A_144, %swap3A_145], %gather3A {strides = array<i32>} : memref<16x8x256xf32, #tpu.memory_space<vmem>>, vector<16xf32>,
      %swap3A_147 = arith.constant 1 : i32
      %swap3A_148 = arith.index_cast %swap3A_147 : i32 to index
      %swap3A_149 = arith.index_cast %shift_right_arithmetic3A_120 : i32 to index
      %swap3A_150 = arith.index_cast %add3A_125 : i32 to index
      %swap3A_151 = tpu.vector_load %arg7[%swap3A_148, %swap3A_149, %swap3A_150] {strides = array<i32>} : memref<16x8x256xf32, #tpu.memory_space<vmem>>, vector<16xf32>,
      tpu.vector_store %arg7[%swap3A_148, %swap3A_149, %swap3A_150], %gather3A_128 {strides = array<i32>} : memref<16x8x256xf32, #tpu.memory_space<vmem>>, vector<16xf32>,
      %swap3A_152 = arith.constant 2 : i32
      %swap3A_153 = arith.index_cast %swap3A_152 : i32 to index
      %swap3A_154 = arith.index_cast %shift_right_arithmetic3A_120 : i32 to index
      %swap3A_155 = arith.index_cast %add3A_125 : i32 to index
      %swap3A_156 = tpu.vector_load %arg7[%swap3A_153, %swap3A_154, %swap3A_155] {strides = array<i32>} : memref<16x8x256xf32, #tpu.memory_space<vmem>>, vector<16xf32>,
      tpu.vector_store %arg7[%swap3A_153, %swap3A_154, %swap3A_155], %gather3A_129 {strides = array<i32>} : memref<16x8x256xf32, #tpu.memory_space<vmem>>, vector<16xf32>,
      %swap3A_157 = arith.constant 3 : i32
      %swap3A_158 = arith.index_cast %swap3A_157 : i32 to index
      %swap3A_159 = arith.index_cast %shift_right_arithmetic3A_120 : i32 to index
      %swap3A_160 = arith.index_cast %add3A_125 : i32 to index
      %swap3A_161 = tpu.vector_load %arg7[%swap3A_158, %swap3A_159, %swap3A_160] {strides = array<i32>} : memref<16x8x256xf32, #tpu.memory_space<vmem>>, vector<16xf32>,
      tpu.vector_store %arg7[%swap3A_158, %swap3A_159, %swap3A_160], %gather3A_130 {strides = array<i32>} : memref<16x8x256xf32, #tpu.memory_space<vmem>>, vector<16xf32>,
      %swap3A_162 = arith.constant 4 : i32
      %swap3A_163 = arith.index_cast %swap3A_162 : i32 to index
      %swap3A_164 = arith.index_cast %shift_right_arithmetic3A_120 : i32 to index
      %swap3A_165 = arith.index_cast %add3A_125 : i32 to index
      %swap3A_166 = tpu.vector_load %arg7[%swap3A_163, %swap3A_164, %swap3A_165] {strides = array<i32>} : memref<16x8x256xf32, #tpu.memory_space<vmem>>, vector<16xf32>,
      tpu.vector_store %arg7[%swap3A_163, %swap3A_164, %swap3A_165], %gather3A_131 {strides = array<i32>} : memref<16x8x256xf32, #tpu.memory_space<vmem>>, vector<16xf32>,
      %swap3A_167 = arith.constant 5 : i32
      %swap3A_168 = arith.index_cast %swap3A_167 : i32 to index
      %swap3A_169 = arith.index_cast %shift_right_arithmetic3A_120 : i32 to index
      %swap3A_170 = arith.index_cast %add3A_125 : i32 to index
      %swap3A_171 = tpu.vector_load %arg7[%swap3A_168, %swap3A_169, %swap3A_170] {strides = array<i32>} : memref<16x8x256xf32, #tpu.memory_space<vmem>>, vector<16xf32>,
      tpu.vector_store %arg7[%swap3A_168, %swap3A_169, %swap3A_170], %gather3A_132 {strides = array<i32>} : memref<16x8x256xf32, #tpu.memory_space<vmem>>, vector<16xf32>,
      %swap3A_172 = arith.constant 6 : i32
      %swap3A_173 = arith.index_cast %swap3A_172 : i32 to index
      %swap3A_174 = arith.index_cast %shift_right_arithmetic3A_120 : i32 to index
      %swap3A_175 = arith.index_cast %add3A_125 : i32 to index
      %swap3A_176 = tpu.vector_load %arg7[%swap3A_173, %swap3A_174, %swap3A_175] {strides = array<i32>} : memref<16x8x256xf32, #tpu.memory_space<vmem>>, vector<16xf32>,
      tpu.vector_store %arg7[%swap3A_173, %swap3A_174, %swap3A_175], %gather3A_133 {strides = array<i32>} : memref<16x8x256xf32, #tpu.memory_space<vmem>>, vector<16xf32>,
      %swap3A_177 = arith.constant 7 : i32
      %swap3A_178 = arith.index_cast %swap3A_177 : i32 to index
      %swap3A_179 = arith.index_cast %shift_right_arithmetic3A_120 : i32 to index
      %swap3A_180 = arith.index_cast %add3A_125 : i32 to index
      %swap3A_181 = tpu.vector_load %arg7[%swap3A_178, %swap3A_179, %swap3A_180] {strides = array<i32>} : memref<16x8x256xf32, #tpu.memory_space<vmem>>, vector<16xf32>,
      tpu.vector_store %arg7[%swap3A_178, %swap3A_179, %swap3A_180], %gather3A_134 {strides = array<i32>} : memref<16x8x256xf32, #tpu.memory_space<vmem>>, vector<16xf32>,
      %swap3A_182 = arith.constant 8 : i32
      %swap3A_183 = arith.index_cast %swap3A_182 : i32 to index
      %swap3A_184 = arith.index_cast %shift_right_arithmetic3A_120 : i32 to index
      %swap3A_185 = arith.index_cast %add3A_125 : i32 to index
      %swap3A_186 = tpu.vector_load %arg7[%swap3A_183, %swap3A_184, %swap3A_185] {strides = array<i32>} : memref<16x8x256xf32, #tpu.memory_space<vmem>>, vector<16xf32>,
      tpu.vector_store %arg7[%swap3A_183, %swap3A_184, %swap3A_185], %gather3A_135 {strides = array<i32>} : memref<16x8x256xf32, #tpu.memory_space<vmem>>, vector<16xf32>,
      %swap3A_187 = arith.constant 9 : i32
      %swap3A_188 = arith.index_cast %swap3A_187 : i32 to index
      %swap3A_189 = arith.index_cast %shift_right_arithmetic3A_120 : i32 to index
      %swap3A_190 = arith.index_cast %add3A_125 : i32 to index
      %swap3A_191 = tpu.vector_load %arg7[%swap3A_188, %swap3A_189, %swap3A_190] {strides = array<i32>} : memref<16x8x256xf32, #tpu.memory_space<vmem>>, vector<16xf32>,
      tpu.vector_store %arg7[%swap3A_188, %swap3A_189, %swap3A_190], %gather3A_136 {strides = array<i32>} : memref<16x8x256xf32, #tpu.memory_space<vmem>>, vector<16xf32>,
      %swap3A_192 = arith.constant 10 : i32
      %swap3A_193 = arith.index_cast %swap3A_192 : i32 to index
      %swap3A_194 = arith.index_cast %shift_right_arithmetic3A_120 : i32 to index
      %swap3A_195 = arith.index_cast %add3A_125 : i32 to index
      %swap3A_196 = tpu.vector_load %arg7[%swap3A_193, %swap3A_194, %swap3A_195] {strides = array<i32>} : memref<16x8x256xf32, #tpu.memory_space<vmem>>, vector<16xf32>,
      tpu.vector_store %arg7[%swap3A_193, %swap3A_194, %swap3A_195], %gather3A_137 {strides = array<i32>} : memref<16x8x256xf32, #tpu.memory_space<vmem>>, vector<16xf32>,
      %swap3A_197 = arith.constant 11 : i32
      %swap3A_198 = arith.index_cast %swap3A_197 : i32 to index
      %swap3A_199 = arith.index_cast %shift_right_arithmetic3A_120 : i32 to index
      %swap3A_200 = arith.index_cast %add3A_125 : i32 to index
      %swap3A_201 = tpu.vector_load %arg7[%swap3A_198, %swap3A_199, %swap3A_200] {strides = array<i32>} : memref<16x8x256xf32, #tpu.memory_space<vmem>>, vector<16xf32>,
      tpu.vector_store %arg7[%swap3A_198, %swap3A_199, %swap3A_200], %gather3A_138 {strides = array<i32>} : memref<16x8x256xf32, #tpu.memory_space<vmem>>, vector<16xf32>,
      %swap3A_202 = arith.constant 12 : i32
      %swap3A_203 = arith.index_cast %swap3A_202 : i32 to index
      %swap3A_204 = arith.index_cast %shift_right_arithmetic3A_120 : i32 to index
      %swap3A_205 = arith.index_cast %add3A_125 : i32 to index
      %swap3A_206 = tpu.vector_load %arg7[%swap3A_203, %swap3A_204, %swap3A_205] {strides = array<i32>} : memref<16x8x256xf32, #tpu.memory_space<vmem>>, vector<16xf32>,
      tpu.vector_store %arg7[%swap3A_203, %swap3A_204, %swap3A_205], %gather3A_139 {strides = array<i32>} : memref<16x8x256xf32, #tpu.memory_space<vmem>>, vector<16xf32>,
      %swap3A_207 = arith.constant 13 : i32
      %swap3A_208 = arith.index_cast %swap3A_207 : i32 to index
      %swap3A_209 = arith.index_cast %shift_right_arithmetic3A_120 : i32 to index
      %swap3A_210 = arith.index_cast %add3A_125 : i32 to index
      %swap3A_211 = tpu.vector_load %arg7[%swap3A_208, %swap3A_209, %swap3A_210] {strides = array<i32>} : memref<16x8x256xf32, #tpu.memory_space<vmem>>, vector<16xf32>,
      tpu.vector_store %arg7[%swap3A_208, %swap3A_209, %swap3A_210], %gather3A_140 {strides = array<i32>} : memref<16x8x256xf32, #tpu.memory_space<vmem>>, vector<16xf32>,
      %swap3A_212 = arith.constant 14 : i32
      %swap3A_213 = arith.index_cast %swap3A_212 : i32 to index
      %swap3A_214 = arith.index_cast %shift_right_arithmetic3A_120 : i32 to index
      %swap3A_215 = arith.index_cast %add3A_125 : i32 to index
      %swap3A_216 = tpu.vector_load %arg7[%swap3A_213, %swap3A_214, %swap3A_215] {strides = array<i32>} : memref<16x8x256xf32, #tpu.memory_space<vmem>>, vector<16xf32>,
      tpu.vector_store %arg7[%swap3A_213, %swap3A_214, %swap3A_215], %gather3A_141 {strides = array<i32>} : memref<16x8x256xf32, #tpu.memory_space<vmem>>, vector<16xf32>,
      %swap3A_217 = arith.constant 15 : i32
      %swap3A_218 = arith.index_cast %swap3A_217 : i32 to index
      %swap3A_219 = arith.index_cast %shift_right_arithmetic3A_120 : i32 to index
      %swap3A_220 = arith.index_cast %add3A_125 : i32 to index
      %swap3A_221 = tpu.vector_load %arg7[%swap3A_218, %swap3A_219, %swap3A_220] {strides = array<i32>} : memref<16x8x256xf32, #tpu.memory_space<vmem>>, vector<16xf32>,
      tpu.vector_store %arg7[%swap3A_218, %swap3A_219, %swap3A_220], %gather3A_142 {strides = array<i32>} : memref<16x8x256xf32, #tpu.memory_space<vmem>>, vector<16xf32>,
    }
    %scan3A_67 = arith.constant 64 : i32
    %dma_start3A_68 = arith.constant 0 : i32
    %dma_start3A_69 = arith.constant 0 : i32
    %dma_start3A_70 = arith.constant 0 : i32
    %dma_start3A_71 = arith.constant 128 : i32
    %dma_start3A_72 = tpu.memref_slice %arg7[%dma_start3A_69, %dma_start3A_70, %dma_start3A_71] : memref<16x8x256xf32, #tpu.memory_space<vmem>> -> memref<16x8x128xf32, #tpu.memory_space<vmem>>
    %dma_start3A_73 = arith.constant 0 : i32
    %dma_start3A_74 = arith.constant 128 : i32
    %dma_start3A_75 = tpu.memref_slice %arg4[%dma_start3A_68, %dma_start3A_73, %mul3A_2, %dma_start3A_74] : memref<1x16x256x256xf32, #tpu.memory_space<hbm>> -> memref<1x16x8x128xf32, #tpu.memory_space<hbm>>
    %dma_start3A_76 = tpu.memref_squeeze %dma_start3A_75 : memref<1x16x8x128xf32, #tpu.memory_space<hbm>> -> memref<16x8x128xf32, #tpu.memory_space<hbm>>
    %dma_start3A_77 = arith.constant 0 : i32
    %dma_start3A_78 = arith.constant 128 : i32
    %dma_start3A_79 = tpu.memref_slice %arg4[%dma_start3A_68, %dma_start3A_77, %mul3A_2, %dma_start3A_78] : memref<1x16x256x256xf32, #tpu.memory_space<hbm>> -> memref<1x16x8x128xf32, #tpu.memory_space<hbm>>
    %dma_start3A_80 = tpu.memref_squeeze %dma_start3A_79 : memref<1x16x8x128xf32, #tpu.memory_space<hbm>> -> memref<16x8x128xf32, #tpu.memory_space<hbm>>
    %dma_start3A_81 = arith.constant 0 : i32
    %dma_start3A_82 = arith.constant 0 : i32
    %dma_start3A_83 = arith.constant 128 : i32
    %dma_start3A_84 = tpu.memref_slice %arg7[%dma_start3A_81, %dma_start3A_82, %dma_start3A_83] : memref<16x8x256xf32, #tpu.memory_space<vmem>> -> memref<16x8x128xf32, #tpu.memory_space<vmem>>
    tpu.enqueue_dma source(%dma_start3A_84 : memref<16x8x128xf32, #tpu.memory_space<vmem>>) target(%dma_start3A_80 : memref<16x8x128xf32, #tpu.memory_space<hbm>>) target_semaphore(%arg11 : memref<!tpu.dma_semaphore, #tpu.memory_space<semaphore_mem>>)
    %dma_wait3A_85 = arith.constant 0 : i32
    %dma_wait3A_86 = arith.constant 0 : i32
    %dma_wait3A_87 = arith.constant 0 : i32
    %dma_wait3A_88 = arith.constant 0 : i32
    %dma_wait3A_89 = tpu.memref_slice %arg7[%dma_wait3A_86, %dma_wait3A_87, %dma_wait3A_88] : memref<16x8x256xf32, #tpu.memory_space<vmem>> -> memref<16x8x128xf32, #tpu.memory_space<vmem>>
    %dma_wait3A_90 = arith.constant 0 : i32
    %dma_wait3A_91 = arith.constant 0 : i32
    %dma_wait3A_92 = tpu.memref_slice %arg4[%dma_wait3A_85, %dma_wait3A_90, %mul3A_2, %dma_wait3A_91] : memref<1x16x256x256xf32, #tpu.memory_space<hbm>> -> memref<1x16x8x128xf32, #tpu.memory_space<hbm>>
    %dma_wait3A_93 = tpu.memref_squeeze %dma_wait3A_92 : memref<1x16x8x128xf32, #tpu.memory_space<hbm>> -> memref<16x8x128xf32, #tpu.memory_space<hbm>>
    %dma_wait3A_94 = arith.constant 0 : i32
    %dma_wait3A_95 = arith.constant 0 : i32
    %dma_wait3A_96 = tpu.memref_slice %arg4[%dma_wait3A_85, %dma_wait3A_94, %mul3A_2, %dma_wait3A_95] : memref<1x16x256x256xf32, #tpu.memory_space<hbm>> -> memref<1x16x8x128xf32, #tpu.memory_space<hbm>>
    %dma_wait3A_97 = tpu.memref_squeeze %dma_wait3A_96 : memref<1x16x8x128xf32, #tpu.memory_space<hbm>> -> memref<16x8x128xf32, #tpu.memory_space<hbm>>
    %dma_wait3A_98 = arith.constant 0 : i32
    %dma_wait3A_99 = arith.constant 0 : i32
    %dma_wait3A_100 = arith.constant 0 : i32
    %dma_wait3A_101 = tpu.memref_slice %arg7[%dma_wait3A_98, %dma_wait3A_99, %dma_wait3A_100] : memref<16x8x256xf32, #tpu.memory_space<vmem>> -> memref<16x8x128xf32, #tpu.memory_space<vmem>>
    tpu.wait_dma2 semaphore(%arg10 : memref<!tpu.dma_semaphore, #tpu.memory_space<semaphore_mem>>) src(%dma_wait3A_101 : memref<16x8x128xf32, #tpu.memory_space<vmem>>) dst(%dma_wait3A_97 : memref<16x8x128xf32, #tpu.memory_space<hbm>>)
    %dma_wait3A_102 = arith.constant 0 : i32
    %dma_wait3A_103 = arith.constant 0 : i32
    %dma_wait3A_104 = arith.constant 0 : i32
    %dma_wait3A_105 = arith.constant 128 : i32
    %dma_wait3A_106 = tpu.memref_slice %arg7[%dma_wait3A_103, %dma_wait3A_104, %dma_wait3A_105] : memref<16x8x256xf32, #tpu.memory_space<vmem>> -> memref<16x8x128xf32, #tpu.memory_space<vmem>>
    %dma_wait3A_107 = arith.constant 0 : i32
    %dma_wait3A_108 = arith.constant 128 : i32
    %dma_wait3A_109 = tpu.memref_slice %arg4[%dma_wait3A_102, %dma_wait3A_107, %mul3A_2, %dma_wait3A_108] : memref<1x16x256x256xf32, #tpu.memory_space<hbm>> -> memref<1x16x8x128xf32, #tpu.memory_space<hbm>>
    %dma_wait3A_110 = tpu.memref_squeeze %dma_wait3A_109 : memref<1x16x8x128xf32, #tpu.memory_space<hbm>> -> memref<16x8x128xf32, #tpu.memory_space<hbm>>
    %dma_wait3A_111 = arith.constant 0 : i32
    %dma_wait3A_112 = arith.constant 128 : i32
    %dma_wait3A_113 = tpu.memref_slice %arg4[%dma_wait3A_102, %dma_wait3A_111, %mul3A_2, %dma_wait3A_112] : memref<1x16x256x256xf32, #tpu.memory_space<hbm>> -> memref<1x16x8x128xf32, #tpu.memory_space<hbm>>
    %dma_wait3A_114 = tpu.memref_squeeze %dma_wait3A_113 : memref<1x16x8x128xf32, #tpu.memory_space<hbm>> -> memref<16x8x128xf32, #tpu.memory_space<hbm>>
    %dma_wait3A_115 = arith.constant 0 : i32
    %dma_wait3A_116 = arith.constant 0 : i32
    %dma_wait3A_117 = arith.constant 128 : i32
    %dma_wait3A_118 = tpu.memref_slice %arg7[%dma_wait3A_115, %dma_wait3A_116, %dma_wait3A_117] : memref<16x8x256xf32, #tpu.memory_space<vmem>> -> memref<16x8x128xf32, #tpu.memory_space<vmem>>
    tpu.wait_dma2 semaphore(%arg11 : memref<!tpu.dma_semaphore, #tpu.memory_space<semaphore_mem>>) src(%dma_wait3A_118 : memref<16x8x128xf32, #tpu.memory_space<vmem>>) dst(%dma_wait3A_114 : memref<16x8x128xf32, #tpu.memory_space<hbm>>)
    return
  }
}

</mosaic_0001>

<sc_bundles>
// kernel: kernel.3.cloned.1.call-start
scs
__scs_entry_jumppad:
0x0: {  	(pc) =	sbr.rel $0x88, $3  }
0x1: {  	(tag) =	ssettag $0x0;
	lr =	simm.s32 $0x1  }
0x2: {  	[smem:$0x3F9F] =	sst lr;
	_ =	strace $0xD0000000  }
0x3: {  	_ = 	snop  }
0x4: {  	_ = 	snop  }
0x5: {  	_ = 	snop  }
0x6: {  	_ = 	snop  }
0x7: {  	_ = 	snop  }
__scs_overlays_trampoline_lowered:
0x8: {  	[smem:$0x3FAE] =	sst s0  }
0x9: {  	[smem:$0x3FAF] =	sst s1  }
0xa: {  	[smem:$0x3FB0] =	sst s2  }
0xb: {  	[smem:$0x3FB1] =	sst s3  }
0xc: {  	[smem:$0x3FB2] =	sst s4  }
0xd: {  	[smem:$0x3FB3] =	sst s5  }
0xe: {  	[smem:$0x3FB4] =	sst s6  }
0xf: {  	[smem:$0x3FB5] =	sst s7  }
0x10: {  	[smem:$0x3FB6] =	sst s8  }
0x11: {  	[smem:$0x3FB7] =	sst s9;
	s0 =	simm.s32 @!p0 $0x0  }
0x12: {  	s1 =	sld [smem:$0x3F9D];
	s0 =	simm.s32 @p0 $0x1  }
0x13: {  	[smem:$0x3FB8] =	sst s0;
	s0 =	simm.s32 @!p1 $0x0  }
0x14: {  	s2 =	sld [smem:$0x3F9C];
	s0 =	simm.s32 @p1 $0x1  }
0x15: {  	[smem:$0x3FB9] =	sst s0;
	s0 =	simm.s32 @!p2 $0x0  }
0x16: {  	s3 =	sld [smem:$0x3FDB];
	s0 =	simm.s32 @p2 $0x1  }
0x17: {  	s4 =	simm.s32 $0x1BF5;
	[smem:$0x3FBB] =	sst s0  }
0x18: {  	s0 =	sld [smem:$0x3F9E];
	_ =	swait.ge [sflag:s4], $0x0  }
0x19: {  	s7 =	sld [smem:$0x3F9F]  }
0x1a: {  	s8 =	sadd.s32 $0xFFFFE003, lr  }
0x1b: {  	s9 =	sadd.s32 $0xFFFFFEF7, lr;
	s5 =	simm.s32 $0xFFFFFFFF;
	p2 =	slt.u32 s8, $0xFFFFF086  }
0x1c: {  	p1 =	slt.u32 s9, $0xF7A;
	s5 =	simm.s32 @!p2 $0x0  }
0x1d: {  	s5 =	simm.s32 @p1 $0x1;
	p0 =	seq.s32 s7, s2  }
0x1e: {  	s7 =	smul.u32 @!p0 $0xF7A, s2;
	p2 =	seq.s32 @!p0 s5, $0x0  }
0x1f: {  	s9 =	smul.u32 $0xF7A, s1;
	s8 =	simm.s32 @!p0 $0x1BF5;
	p2 =	por !p2, p0  }
0x20: {  	[sflag:s8] =	ssyncset.s32 @!p0 $0xFFFFF086;
	s6 =	sadd.s32 @!p0 s3, s7;
	s7 =	simm.s32 @!p0 $0x108  }
0x21: {  	s3 =	sadd.s32 s3, s9;
	s6 =	sadd.s32 @!p0 $0x88, s6;
	s7 =	simm.s32 @p2 $0x1082  }
0x22: {  	[simem:s7], [sflag:s8] =	dma.local @!p0 [hbm:s6], $0xF7A  }
0x23: {  	s9 =	sor.u32 $0xD0000000, s2;
	s6 =	simm.s32 $0x108;
	_ =	swait.ge @!p0 [sflag:s8], $0x0  }
0x24: {  	s3 =	sadd.s32 $0x88, s3;
	s6 =	simm.s32 @!p1 $0x1082;
	[sflag:s4] =	ssyncset.s32 $0xFFFFF086  }
0x25: {  	[simem:s6], [sflag:s4] =	dma.local [hbm:s3], $0xF7A  }
0x26: {  	[smem:$0x3F9F] =	sst s1;
	(tag) =	ssettag s2;
	_ =	strace s9  }
0x27: {  	s1 =	sld [smem:$0x3FAF]  }
0x28: {  	s2 =	sld [smem:$0x3FB0]  }
0x29: {  	s4 =	sld [smem:$0x3FB2]  }
0x2a: {  	p0 =	seq.s32 s5, $0x0;
	s5 =	sld [smem:$0x3FB3]  }
0x2b: {  	s6 =	sld [smem:$0x3FB4]  }
0x2c: {  	s7 =	sld [smem:$0x3FB5]  }
0x2d: {  	s3 =	simm.s32 $0x108;
	s8 =	sld [smem:$0x3FB6]  }
0x2e: {  	s3 =	simm.s32 @!p0 $0x1082;
	s9 =	sld [smem:$0x3FB7]  }
0x2f: {  	lr =	sadd.s32 s0, s3;
	s0 =	sld [smem:$0x3FAE]  }
0x30: {  	s3 =	sld [smem:$0x3FB1]  }
0x31: {  	[smem:$0x3FBA] =	sst s10  }
0x32: {  	s10 =	sld [smem:$0x3FB8];
	_ =	sdelay $0x3  }
0x33: {  	p0 =	seq.s32 s10, $0x1;
	s10 =	sld [smem:$0x3FBA];
	_ =	sdelay $0x3  }
0x34: {  	[smem:$0x3FBA] =	sst s10  }
0x35: {  	s10 =	sld [smem:$0x3FB9];
	_ =	sdelay $0x3  }
0x36: {  	p1 =	seq.s32 s10, $0x1;
	s10 =	sld [smem:$0x3FBA];
	_ =	sdelay $0x3  }
0x37: {  	[smem:$0x3FBA] =	sst s10  }
0x38: {  	s10 =	sld [smem:$0x3FBB]  }
0x39: {  	_ = 	snop;
	(pc) =	sbr.ind lr, $3  }
0x3a: {  	_ = 	snop  }
0x3b: {  	_ = 	snop  }
0x3c: {  	p2 =	seq.s32 s10, $0x1;
	s10 =	sld [smem:$0x3FBA]  }
0x3d: {  	_ =	shalt  }
0x3e: {  	_ =	shalt  }
0x3f: {  	_ =	shalt  }
0x40: {  	_ =	shalt  }
0x41: {  	_ =	shalt  }
0x42: {  	_ =	shalt  }
0x43: {  	_ =	shalt  }
0x44: {  	_ =	shalt  }
0x45: {  	_ =	shalt  }
0x46: {  	_ =	shalt  }
0x47: {  	_ =	shalt  }
0x48: {  	_ =	shalt  }
0x49: {  	_ =	shalt  }
0x4a: {  	_ =	shalt  }
0x4b: {  	_ =	shalt  }
0x4c: {  	_ =	shalt  }
0x4d: {  	_ =	shalt  }
0x4e: {  	_ =	shalt  }
0x4f: {  	_ =	shalt  }
0x50: {  	_ =	shalt  }
0x51: {  	_ =	shalt  }
0x52: {  	_ =	shalt  }
0x53: {  	_ =	shalt  }
0x54: {  	_ =	shalt  }
0x55: {  	_ =	shalt  }
0x56: {  	_ =	shalt  }
0x57: {  	_ =	shalt  }
0x58: {  	_ =	shalt  }
0x59: {  	_ =	shalt  }
0x5a: {  	_ =	shalt  }
0x5b: {  	_ =	shalt  }
0x5c: {  	_ =	shalt  }
0x5d: {  	_ =	shalt  }
0x5e: {  	_ =	shalt  }
0x5f: {  	_ =	shalt  }
0x60: {  	_ =	shalt  }
0x61: {  	_ =	shalt  }
0x62: {  	_ =	shalt  }
0x63: {  	_ =	shalt  }
0x64: {  	_ =	shalt  }
0x65: {  	_ =	shalt  }
0x66: {  	_ =	shalt  }
0x67: {  	_ =	shalt  }
0x68: {  	_ =	shalt  }
0x69: {  	_ =	shalt  }
0x6a: {  	_ =	shalt  }
0x6b: {  	_ =	shalt  }
0x6c: {  	_ =	shalt  }
0x6d: {  	_ =	shalt  }
0x6e: {  	_ =	shalt  }
0x6f: {  	_ =	shalt  }
0x70: {  	_ =	shalt  }
0x71: {  	_ =	shalt  }
0x72: {  	_ =	shalt  }
0x73: {  	_ =	shalt  }
0x74: {  	_ =	shalt  }
0x75: {  	_ =	shalt  }
0x76: {  	_ =	shalt  }
0x77: {  	_ =	shalt  }
0x78: {  	_ =	shalt  }
0x79: {  	_ =	shalt  }
0x7a: {  	_ =	shalt  }
0x7b: {  	_ =	shalt  }
0x7c: {  	_ =	shalt  }
0x7d: {  	_ =	shalt  }
0x7e: {  	_ =	shalt  }
0x7f: {  	_ =	shalt  }
0x80: {  	_ =	shalt  }
0x81: {  	_ =	shalt  }
0x82: {  	_ =	shalt  }
0x83: {  	_ =	shalt  }
0x84: {  	_ =	shalt  }
0x85: {  	_ =	shalt  }
0x86: {  	_ =	shalt  }
0x87: {  	_ =	shalt  }
.Lfunc_end0:
.L_simem_size_0:
called_computation_lowered:
.L_overlay_start_0:
0x88: {  	s2 =	sld [smem:$0x3FD9]  }
0x89: {  	s3 =	sld [smem:$0x3FFE];
	_ =	sdelay $0x1  }
0x8a: {  	s1 =	srdreg.scid  }
0x8b: {  	s0 =	sand.u32 $0x1, s1  }
0x8c: {  	s18 =	sshll.u32 s0, $0xA;
	s2 =	sadd.s32 s3, s2  }
0x8d: {  	s2 =	sadd.s32 s2, s18  }
0x8e: {  	[smem:$0x3FC6] =	sst s2  }
0x8f: {  	_ = 	snop  }
0x90: {  	s2 =	sld [smem:$0x3FC9]  }
0x91: {  	s19 =	sld [smem:$0x3FC8]  }
0x92: {  	s4 =	sld [smem:$0x3FD0];
	(tm) =	ssettm $0x1  }
0x93: {  	s5 =	sld [smem:$0x3FFB];
	_ =	sdelay $0x3  }
0x94: {  	_ =	strace s5  }
0x95: {  	s5 =	sld [smem:$0x3FFC];
	_ =	sdelay $0x3  }
0x96: {  	_ =	strace s5  }
0x97: {  	s5 =	sld [smem:$0x3FFD];
	_ =	sdelay $0x3  }
0x98: {  	_ =	strace s5  }
0x99: {  	_ =	strace $0x8FFFFFFF  }
0x9a: {  	s20 =	sld [smem:$0x3FDB];
	_ =	sdelay $0x1  }
0x9b: {  	s6 =	simm.s32 $_scs_section_size  }
0x9c: {  	s7 =	simm.s32 $_size__tile_overlayer_lowered;
	s8 =	simm.s32 $_tile_overlayer_lowered  }
0x9d: {  	s23 =	simm.s32 $0x1BFF;
	s22 =	sshll.u32 s8, $0x1;
	s5 =	sadd.s32 s6, s20  }
0x9e: {  	s9 =	simm.s32 $0x0;
	s21 =	sshll.u32 s7, $0x1;
	s7 =	sadd.s32 s22, s5  }
0x9f: {  	[timem:s9], [sflag:s23] =	dma.local [hbm:s7], s21  }
0xa0: {  	_ =	swait.ge [sflag:s23], s21  }
0xa1: {  	s6 =	ssub.s32 $0x0, s21;
	[sflag:s23] =	ssyncset.done $0x0  }
0xa2: {  	[sflag:s23] =	ssyncadd.s32 s6;
	_ =	sdelay $0x1  }
0xa3: {  	s24 =	simm.s32 $0x1B8B  }
0xa4: {  	_ =	swait.ge [sflag:s24], $0x1  }
0xa5: {  	[sflag:s24] =	ssyncset.done $0x0  }
0xa6: {  	s25 =	simm.s32 $0x1B8E;
	[sflag:s24] =	ssyncadd.s32 $0xFFFFFFFF  }
0xa7: {  	s26 =	simm.s32 $execute0_lowered;
	[smem:$0x3FD2] =	sst s25  }
0xa8: {  	s6 =	sshll.u32 s26, $0x1;
	_ =	strace $0x80000046;
	[dreg:$0x1] =	wrdreg $0xFFFFFFFF  }
0xa9: {  	s28 =	simm.s32 $_size_execute0_lowered;
	s5 =	sadd.s32 s5, s6;
	[dreg:$0x0] =	wrdreg $0x0  }
0xaa: {  	s6 =	sshll.u32 s28, $0x1;
	[dreg:$0x2] =	wrdreg s5  }
0xab: {  	[dreg:$0x3] =	wrdreg s6  }
0xac: {  	[dreg:$0x4] =	wrdreg $0xC0  }
0xad: {  	_ =	task [dreg:s9], $0x5FFFF  }
0xae: {  	[dreg:$0x1] =	wrdreg $0xFFFFFFFF  }
0xaf: {  	[dreg:$0x0] =	wrdreg $0x60  }
0xb0: {  	[dreg:$0x2] =	wrdreg s2  }
0xb1: {  	[dreg:$0x3] =	wrdreg s19  }
0xb2: {  	[dreg:$0x4] =	wrdreg s4  }
0xb3: {  	[dreg:$0x5] =	wrdreg $0x9  }
0xb4: {  	_ =	task.clear_ibuf [dreg:s9], $0x6FFFF;
	_ =	strace $0x90000046  }
0xb5: {  	s29 =	simm.s32 $0x9;
	_ =	strace $0x80000048  }
0xb6: {  	_ =	swait.ge [sflag:s29], $0x1  }
0xb7: {  	[sflag:s29] =	ssyncadd.s32 $0xFFFFFFFF  }
0xb8: {  	_ =	strace $0x90000048  }
0xb9: {  	_ =	sfence  }
0xba: {  	s30 =	sld [smem:$0x0];
	_ =	sdelay $0x2  }
0xbb: {  	s31 =	sshll.u32 s1, $0xD;
	s1 =	sshrl.u32 s1, $0x2  }
0xbc: {  	s3 =	sand.u32 $0x4000, s31;
	s1 =	sadd.s32 s1, s30  }
0xbd: {  	s0 =	sor.u32 s3, s0;
	s1 =	sshll.u32 s1, $0x11  }
0xbe: {  	s0 =	sor.u32 s1, s0  }
0xbf: {  	s0 =	sadd.s32 $0x8F2B, s0  }
0xc0: {  	[sflag:s0] =	ssyncadd.remote.s32 $0x1  }
0xc1: {  	_ =	sfence.sel $0xFFFF  }
0xc2: {  	[dreg:$0x0] =	wrdreg $0xFFFFFFFF;
	(pc) =	sbr.abs _section_cstart, $3  }
0xc3: {  	[dreg:$0x1] =	wrdreg $0xFFFFFFFF  }
0xc4: {  	_ =	task.clear_ibuf [dreg:s9], $0x2FFFF;
	_ =	strace $0x9FFFFFFF  }
0xc5: {  	(tm) =	ssettm $0x7FFFFFFF  }
tec
execute0_lowered:
.L_overlay_start_1:
0x0: {  	(tag) =	ssettag $0x1  }
0x1: {  	s0 =	rddreg [dreg:$0x1]  }
0x2: {  	s1 =	rddreg [dreg:$0x2];
	s2 =	srdreg.scid  }
0x3: {  	s4 =	stileid.u32;
	s3 =	simm.s32 $0x0;
	s8 =	simm.s32 $0x2  }
0x4: {  	s9 =	simm.s32 $0x1;
	s10 =	simm.s32 $0x4800;
	s14 =	simm.s32 $0x7400  }
0x5: {  	s16 =	simm.s32 $0x7C00;
	s18 =	simm.s32 $0x8400;
	s19 =	simm.s32 $0x8C00  }
0x6: {  	s20 =	simm.s32 $0x9400;
	s21 =	simm.s32 $0x9C00;
	s22 =	simm.s32 $0xA400  }
0x7: {  	s23 =	simm.s32 $0xAC00;
	s24 =	simm.s32 $0xB400;
	s25 =	simm.s32 $0xBC00  }
0x8: {  	s26 =	simm.s32 $0xC400;
	s28 =	simm.s32 $0x3;
	s29 =	simm.s32 $0x4  }
0x9: {  	s30 =	simm.s32 $0x0;
	s2 =	sand.u32 $0x1, s2;
	s4 =	sshll.u32 s4, $0x9  }
0xa: {  	[smem:$0x7FF] =	sst s3;
	s5 =	sshll.u32 s2, $0x8;
	s2 =	ssub.s32 $0x2, s2  }
0xb: {  	_ =	strace $0x80000047;
	s5 =	sor.u32 s5, s4;
	s6 =	sshrl.u32 s2, $0x1  }
0xc: {  	s4 =	sadd.s32 s1, s5;
	s31 =	ssub.s32 s2, s6;
	s5 =	sadd.s32 s0, s5  }
0xd: {  	s6 =	sadd.s32 $0x80, s4;
	s7 =	smax.u32 s31, $0x1;
	s11 =	sadd.s32 $0x2000, s4  }
0xe: {  	s13 =	sadd.s32 $0x4000, s4;
	s15 =	sadd.s32 $0x6000, s4;
	s17 =	sadd.s32 $0x8000, s4  }
.LBB2_1:
0xf: {  	s0 =	rddreg [dreg:$0x0]  }
0x10: {  	[tilespmem:s3], [sflag:$0x1] =	stream.linear.gather [hbm4b:s0+s3], $0x4000, $0x38;
	[tilespmem:$0xC800] =	vst v63  }
0x11: {  	s2 =	simm.s32 $0x4000  }
0x12: {  	[tilespmem:s2], [sflag:$0x2] =	stream.linear.gather [hbm4b:s5+s3], $0x800, $0x38;
	[tilespmem:$0xC800] =	vst v63  }
0x13: {  	_ =	swait.ge [sflag:s8], $0x800  }
0x14: {  	[sflag:s8] =	ssyncset.done $0x0  }
0x15: {  	[sflag:s8] =	ssyncadd.s32 $0xFFFFF800  }
0x16: {  	_ =	swait.ge [sflag:s9], $0x4000  }
0x17: {  	[sflag:s9] =	ssyncset.done $0x0  }
0x18: {  	[sflag:s9] =	ssyncadd.s32 $0xFFFFC000  }
0x19: {  	v0 =	vld [tilespmem:s2+$0x0];
	_ =	sdelay $0x4  }
0x1a: {  	v1 =	vshll.u32 v0, $0x3  }
0x1b: {  	v0 =	vand.u32 $0x7F, v0;
	v1 =	vand.u32 $0xFFFFFC00, v1  }
0x1c: {  	v0 =	vor.u32 v0, v1  }
0x1d: {  	v1 =	vor.u32 $0x80, v0  }
0x1e: {  	v2 =	vor.u32 $0x100, v0  }
0x1f: {  	v3 =	vor.u32 $0x180, v0  }
0x20: {  	v4 =	vor.u32 $0x200, v0  }
0x21: {  	v6 =	vor.u32 $0x280, v0;
	v5 =	vld.idx.msk [tilespmem:v0+s3+$0x0], $0xffff  }
0x22: {  	v7 =	vor.u32 $0x300, v0;
	v1 =	vld.idx.msk [tilespmem:v1+s3+$0x0], $0xffff  }
0x23: {  	v8 =	vor.u32 $0x380, v0;
	v2 =	vld.idx.msk [tilespmem:v2+s3+$0x0], $0xffff  }
0x24: {  	v9 =	vadd.s32 $0x2000, v0;
	v3 =	vld.idx.msk [tilespmem:v3+s3+$0x0], $0xffff  }
0x25: {  	v10 =	vadd.s32 $0x2080, v0;
	v4 =	vld.idx.msk [tilespmem:v4+s3+$0x0], $0xffff  }
0x26: {  	v11 =	vadd.s32 $0x2100, v0;
	v6 =	vld.idx.msk [tilespmem:v6+s3+$0x0], $0xffff  }
0x27: {  	v12 =	vadd.s32 $0x2180, v0;
	v7 =	vld.idx.msk [tilespmem:v7+s3+$0x0], $0xffff  }
0x28: {  	v13 =	vadd.s32 $0x2200, v0;
	v8 =	vld.idx.msk [tilespmem:v8+s3+$0x0], $0xffff  }
0x29: {  	v14 =	vadd.s32 $0x2280, v0;
	v9 =	vld.idx.msk [tilespmem:v9+s3+$0x0], $0xffff  }
0x2a: {  	v15 =	vadd.s32 $0x2300, v0;
	v10 =	vld.idx.msk [tilespmem:v10+s3+$0x0], $0xffff  }
0x2b: {  	v0 =	vadd.s32 $0x2380, v0;
	v11 =	vld.idx.msk [tilespmem:v11+s3+$0x0], $0xffff  }
0x2c: {  	v12 =	vld.idx.msk [tilespmem:v12+s3+$0x0], $0xffff  }
0x2d: {  	v13 =	vld.idx.msk [tilespmem:v13+s3+$0x0], $0xffff  }
0x2e: {  	v14 =	vld.idx.msk [tilespmem:v14+s3+$0x0], $0xffff  }
0x2f: {  	v15 =	vld.idx.msk [tilespmem:v15+s3+$0x0], $0xffff  }
0x30: {  	s12 =	sand.u32 $0x3F0, s3;
	v0 =	vld.idx.msk [tilespmem:v0+s3+$0x0], $0xffff;
	[tilespmem:s10+$0x0] =	vst v5  }
0x31: {  	[tilespmem:s12+$0x5000] =	vst v1  }
0x32: {  	[tilespmem:s12+$0x5800] =	vst v2  }
0x33: {  	[tilespmem:s12+$0x6000] =	vst v3  }
0x34: {  	[tilespmem:s12+$0x6800] =	vst v4  }
0x35: {  	[tilespmem:s12+$0x7000] =	vst v6  }
0x36: {  	[tilespmem:s12+$0x7800] =	vst v7  }
0x37: {  	[tilespmem:s12+$0x8000] =	vst v8  }
0x38: {  	[tilespmem:s12+$0x8800] =	vst v9  }
0x39: {  	[tilespmem:s12+$0x9000] =	vst v10  }
0x3a: {  	[tilespmem:s12+$0x9800] =	vst v11  }
0x3b: {  	[tilespmem:s12+$0xA000] =	vst v12  }
0x3c: {  	[tilespmem:s12+$0xA800] =	vst v13  }
0x3d: {  	[tilespmem:s12+$0xB000] =	vst v14  }
0x3e: {  	[tilespmem:s12+$0xB800] =	vst v15  }
0x3f: {  	s2 =	simm.s32 $0x4010;
	[tilespmem:s12+$0xC000] =	vst v0  }
0x40: {  	v0 =	vld [tilespmem:s2+$0x0];
	_ =	sdelay $0x4  }
0x41: {  	v1 =	vshll.u32 v0, $0x3  }
0x42: {  	v0 =	vand.u32 $0x7F, v0;
	v1 =	vand.u32 $0xFFFFFC00, v1  }
0x43: {  	v0 =	vor.u32 v0, v1  }
0x44: {  	v2 =	vor.u32 $0x80, v0  }
0x45: {  	s31 =	simm.s32 $0x10;
	s1 =	simm.s32 $0x20;
	s0 =	simm.s32 $0x4800;
	v1 =	vor.u32 $0x100, v0  }
.LBB2_2:
0x46: {  	p0 =	sne.s32 s1, $0x3F0;
	v3 =	vor.u32 $0x180, v0  }
0x47: {  	v4 =	vor.u32 $0x200, v0  }
0x48: {  	v6 =	vor.u32 $0x280, v0;
	v5 =	vld.idx.msk [tilespmem:v0+s3+$0x0], $0xffff  }
0x49: {  	v7 =	vor.u32 $0x300, v0;
	v2 =	vld.idx.msk [tilespmem:v2+s3+$0x0], $0xffff  }
0x4a: {  	v8 =	vor.u32 $0x380, v0;
	v1 =	vld.idx.msk [tilespmem:v1+s3+$0x0], $0xffff  }
0x4b: {  	v9 =	vadd.s32 $0x2000, v0;
	v3 =	vld.idx.msk [tilespmem:v3+s3+$0x0], $0xffff  }
0x4c: {  	v10 =	vadd.s32 $0x2080, v0;
	v4 =	vld.idx.msk [tilespmem:v4+s3+$0x0], $0xffff  }
0x4d: {  	v11 =	vadd.s32 $0x2100, v0;
	v6 =	vld.idx.msk [tilespmem:v6+s3+$0x0], $0xffff  }
0x4e: {  	v12 =	vadd.s32 $0x2180, v0;
	v7 =	vld.idx.msk [tilespmem:v7+s3+$0x0], $0xffff  }
0x4f: {  	v13 =	vadd.s32 $0x2200, v0;
	v8 =	vld.idx.msk [tilespmem:v8+s3+$0x0], $0xffff  }
0x50: {  	v14 =	vadd.s32 $0x2280, v0;
	v9 =	vld.idx.msk [tilespmem:v9+s3+$0x0], $0xffff  }
0x51: {  	v15 =	vadd.s32 $0x2300, v0;
	v10 =	vld.idx.msk [tilespmem:v10+s3+$0x0], $0xffff  }
0x52: {  	v0 =	vadd.s32 $0x2380, v0;
	v11 =	vld.idx.msk [tilespmem:v11+s3+$0x0], $0xffff  }
0x53: {  	v12 =	vld.idx.msk [tilespmem:v12+s3+$0x0], $0xffff  }
0x54: {  	v13 =	vld.idx.msk [tilespmem:v13+s3+$0x0], $0xffff  }
0x55: {  	v14 =	vld.idx.msk [tilespmem:v14+s3+$0x0], $0xffff  }
0x56: {  	s0 =	sadd.s32 $0x10, s0;
	v15 =	vld.idx.msk [tilespmem:v15+s3+$0x0], $0xffff  }
0x57: {  	s12 =	sand.u32 $0x3F0, s31;
	s31 =	smov.u32 s1;
	v0 =	vld.idx.msk [tilespmem:v0+s3+$0x0], $0xffff;
	[tilespmem:s0+$0x0] =	vst v5  }
0x58: {  	[tilespmem:s12+$0x5000] =	vst v2  }
0x59: {  	[tilespmem:s12+$0x5800] =	vst v1  }
0x5a: {  	[tilespmem:s12+$0x6000] =	vst v3  }
0x5b: {  	[tilespmem:s12+$0x6800] =	vst v4  }
0x5c: {  	[tilespmem:s12+$0x7000] =	vst v6  }
0x5d: {  	[tilespmem:s12+$0x7800] =	vst v7  }
0x5e: {  	[tilespmem:s12+$0x8000] =	vst v8  }
0x5f: {  	[tilespmem:s12+$0x8800] =	vst v9  }
0x60: {  	[tilespmem:s12+$0x9000] =	vst v10  }
0x61: {  	[tilespmem:s12+$0x9800] =	vst v11  }
0x62: {  	[tilespmem:s12+$0xA000] =	vst v12  }
0x63: {  	[tilespmem:s12+$0xA800] =	vst v13  }
0x64: {  	[tilespmem:s12+$0xB000] =	vst v14  }
0x65: {  	[tilespmem:s12+$0xB800] =	vst v15  }
0x66: {  	s2 =	sadd.s32 $0x10, s2;
	[tilespmem:s12+$0xC000] =	vst v0  }
0x67: {  	v0 =	vld [tilespmem:s2+$0x0];
	_ =	sdelay $0x4  }
.Ltmp0:
0x68: {  	v1 =	vshll.u32 v0, $0x3;
	(pc) =	sbr.rel @p0 .LBB2_2-.Ltmp0, $4  }
0x69: {  	v0 =	vand.u32 $0x7F, v0;
	v1 =	vand.u32 $0xFFFFFC00, v1  }
0x6a: {  	v0 =	vor.u32 v0, v1  }
0x6b: {  	v2 =	vor.u32 $0x80, v0  }
0x6c: {  	s1 =	sadd.s32 $0x10, s1;
	v1 =	vor.u32 $0x100, v0  }
0x6d: {  	_ =	sdelay $0x1  }
0x6e: {  	v3 =	vor.u32 $0x180, v0  }
0x6f: {  	v4 =	vor.u32 $0x200, v0  }
0x70: {  	v5 =	vld.idx.msk [tilespmem:v0+s3+$0x0], $0xffff;
	v6 =	vor.u32 $0x280, v0  }
0x71: {  	v2 =	vld.idx.msk [tilespmem:v2+s3+$0x0], $0xffff;
	v7 =	vor.u32 $0x300, v0  }
0x72: {  	v1 =	vld.idx.msk [tilespmem:v1+s3+$0x0], $0xffff;
	v8 =	vor.u32 $0x380, v0  }
0x73: {  	v9 =	vadd.s32 $0x2000, v0;
	v3 =	vld.idx.msk [tilespmem:v3+s3+$0x0], $0xffff  }
0x74: {  	v10 =	vadd.s32 $0x2080, v0;
	v4 =	vld.idx.msk [tilespmem:v4+s3+$0x0], $0xffff  }
0x75: {  	v11 =	vadd.s32 $0x2100, v0;
	v6 =	vld.idx.msk [tilespmem:v6+s3+$0x0], $0xffff  }
0x76: {  	v12 =	vadd.s32 $0x2180, v0;
	v7 =	vld.idx.msk [tilespmem:v7+s3+$0x0], $0xffff  }
0x77: {  	v13 =	vadd.s32 $0x2200, v0;
	v8 =	vld.idx.msk [tilespmem:v8+s3+$0x0], $0xffff  }
0x78: {  	v14 =	vadd.s32 $0x2280, v0;
	v9 =	vld.idx.msk [tilespmem:v9+s3+$0x0], $0xffff  }
0x79: {  	v15 =	vadd.s32 $0x2300, v0;
	v10 =	vld.idx.msk [tilespmem:v10+s3+$0x0], $0xffff  }
0x7a: {  	v0 =	vadd.s32 $0x2380, v0;
	v11 =	vld.idx.msk [tilespmem:v11+s3+$0x0], $0xffff  }
0x7b: {  	v12 =	vld.idx.msk [tilespmem:v12+s3+$0x0], $0xffff  }
0x7c: {  	v13 =	vld.idx.msk [tilespmem:v13+s3+$0x0], $0xffff  }
0x7d: {  	v14 =	vld.idx.msk [tilespmem:v14+s3+$0x0], $0xffff  }
0x7e: {  	s0 =	sadd.s32 $0x10, s0;
	v15 =	vld.idx.msk [tilespmem:v15+s3+$0x0], $0xffff  }
0x7f: {  	s1 =	sand.u32 $0x3F0, s31;
	v0 =	vld.idx.msk [tilespmem:v0+s3+$0x0], $0xffff;
	[tilespmem:s0+$0x0] =	vst v5  }
0x80: {  	[tilespmem:s1+$0x5000] =	vst v2  }
0x81: {  	[tilespmem:s1+$0x5800] =	vst v1  }
0x82: {  	[tilespmem:s1+$0x6000] =	vst v3  }
0x83: {  	[tilespmem:s1+$0x6800] =	vst v4  }
0x84: {  	[tilespmem:s1+$0x7000] =	vst v6  }
0x85: {  	[tilespmem:s1+$0x7800] =	vst v7  }
0x86: {  	[tilespmem:s1+$0x8000] =	vst v8  }
0x87: {  	[tilespmem:s1+$0x8800] =	vst v9  }
0x88: {  	[tilespmem:s1+$0x9000] =	vst v10  }
0x89: {  	[tilespmem:s1+$0x9800] =	vst v11  }
0x8a: {  	[tilespmem:s1+$0xA000] =	vst v12  }
0x8b: {  	[tilespmem:s1+$0xA800] =	vst v13  }
0x8c: {  	[tilespmem:s1+$0xB000] =	vst v14  }
0x8d: {  	[tilespmem:s1+$0xB800] =	vst v15  }
0x8e: {  	s0 =	simm.s32 $0x0;
	[tilespmem:s1+$0xC000] =	vst v0  }
0x8f: {  	[hbm4b:s4+s0] =	stream.linear.scatter [tilespmem:s10], [sflag:$0x3], $0x400, $0x38;
	[tilespmem:$0xC800] =	vst v63  }
0x90: {  	s1 =	simm.s32 $0x5000  }
0x91: {  	[hbm4b:s11+s0] =	stream.linear.scatter [tilespmem:s1], [sflag:$0x3], $0x400, $0x38;
	[tilespmem:$0xC800] =	vst v63  }
0x92: {  	s2 =	simm.s32 $0x5800  }
0x93: {  	[hbm4b:s13+s0] =	stream.linear.scatter [tilespmem:s2], [sflag:$0x3], $0x400, $0x38;
	[tilespmem:$0xC800] =	vst v63  }
0x94: {  	s12 =	simm.s32 $0x6000  }
0x95: {  	[hbm4b:s15+s0] =	stream.linear.scatter [tilespmem:s12], [sflag:$0x3], $0x400, $0x38;
	[tilespmem:$0xC800] =	vst v63  }
0x96: {  	s2 =	simm.s32 $0x6800  }
0x97: {  	[hbm4b:s17+s0] =	stream.linear.scatter [tilespmem:s2], [sflag:$0x3], $0x400, $0x38;
	[tilespmem:$0xC800] =	vst v63  }
0x98: {  	s12 =	sadd.s32 $0xA000, s4;
	s2 =	simm.s32 $0x7000  }
0x99: {  	[hbm4b:s12+s0] =	stream.linear.scatter [tilespmem:s2], [sflag:$0x3], $0x400, $0x38;
	[tilespmem:$0xC800] =	vst v63  }
0x9a: {  	s2 =	sadd.s32 $0xC000, s4;
	s12 =	simm.s32 $0x7800  }
0x9b: {  	[hbm4b:s2+s0] =	stream.linear.scatter [tilespmem:s12], [sflag:$0x3], $0x400, $0x38;
	[tilespmem:$0xC800] =	vst v63  }
0x9c: {  	s2 =	sadd.s32 $0xE000, s4;
	s12 =	simm.s32 $0x8000  }
0x9d: {  	[hbm4b:s2+s0] =	stream.linear.scatter [tilespmem:s12], [sflag:$0x3], $0x400, $0x38;
	[tilespmem:$0xC800] =	vst v63  }
0x9e: {  	s2 =	sadd.s32 $0x10000, s4;
	s12 =	simm.s32 $0x8800  }
0x9f: {  	[hbm4b:s2+s0] =	stream.linear.scatter [tilespmem:s12], [sflag:$0x3], $0x400, $0x38;
	[tilespmem:$0xC800] =	vst v63  }
0xa0: {  	s2 =	sadd.s32 $0x12000, s4;
	s12 =	simm.s32 $0x9000  }
0xa1: {  	[hbm4b:s2+s0] =	stream.linear.scatter [tilespmem:s12], [sflag:$0x3], $0x400, $0x38;
	[tilespmem:$0xC800] =	vst v63  }
0xa2: {  	s2 =	sadd.s32 $0x14000, s4;
	s12 =	simm.s32 $0x9800  }
0xa3: {  	[hbm4b:s2+s0] =	stream.linear.scatter [tilespmem:s12], [sflag:$0x3], $0x400, $0x38;
	[tilespmem:$0xC800] =	vst v63  }
0xa4: {  	s2 =	sadd.s32 $0x16000, s4;
	s12 =	simm.s32 $0xA000  }
0xa5: {  	[hbm4b:s2+s0] =	stream.linear.scatter [tilespmem:s12], [sflag:$0x3], $0x400, $0x38;
	[tilespmem:$0xC800] =	vst v63  }
0xa6: {  	s2 =	sadd.s32 $0x18000, s4;
	s12 =	simm.s32 $0xA800  }
0xa7: {  	[hbm4b:s2+s0] =	stream.linear.scatter [tilespmem:s12], [sflag:$0x3], $0x400, $0x38;
	[tilespmem:$0xC800] =	vst v63  }
0xa8: {  	s2 =	sadd.s32 $0x1A000, s4;
	s12 =	simm.s32 $0xB000  }
0xa9: {  	[hbm4b:s2+s0] =	stream.linear.scatter [tilespmem:s12], [sflag:$0x3], $0x400, $0x38;
	[tilespmem:$0xC800] =	vst v63  }
0xaa: {  	s2 =	sadd.s32 $0x1C000, s4;
	s12 =	simm.s32 $0xB800  }
0xab: {  	[hbm4b:s2+s0] =	stream.linear.scatter [tilespmem:s12], [sflag:$0x3], $0x400, $0x38;
	[tilespmem:$0xC800] =	vst v63  }
0xac: {  	s2 =	sadd.s32 $0x1E000, s4;
	s12 =	simm.s32 $0xC000  }
0xad: {  	[hbm4b:s2+s0] =	stream.linear.scatter [tilespmem:s12], [sflag:$0x3], $0x400, $0x38;
	[tilespmem:$0xC800] =	vst v63  }
0xae: {  	s12 =	simm.s32 $0x4400  }
0xaf: {  	v0 =	vld [tilespmem:s12+$0x0];
	_ =	sdelay $0x4  }
0xb0: {  	v1 =	vshll.u32 v0, $0x3  }
0xb1: {  	v0 =	vand.u32 $0x7F, v0;
	v1 =	vand.u32 $0xFFFFFC00, v1  }
0xb2: {  	v0 =	vor.u32 v0, v1  }
0xb3: {  	v1 =	vor.u32 $0x80, v0  }
0xb4: {  	v2 =	vor.u32 $0x100, v0  }
0xb5: {  	v3 =	vor.u32 $0x180, v0  }
0xb6: {  	v53 =	vor.u32 $0x200, v0  }
0xb7: {  	v54 =	vor.u32 $0x280, v0;
	v5 =	vld.idx.msk [tilespmem:v0+s3+$0x0], $0xffff  }
0xb8: {  	v55 =	vor.u32 $0x300, v0;
	v1 =	vld.idx.msk [tilespmem:v1+s3+$0x0], $0xffff  }
0xb9: {  	v56 =	vor.u32 $0x380, v0;
	v2 =	vld.idx.msk [tilespmem:v2+s3+$0x0], $0xffff  }
0xba: {  	v57 =	vadd.s32 $0x2000, v0;
	v3 =	vld.idx.msk [tilespmem:v3+s3+$0x0], $0xffff  }
0xbb: {  	v58 =	vadd.s32 $0x2080, v0;
	v4 =	vld.idx.msk [tilespmem:v53+s3+$0x0], $0xffff  }
0xbc: {  	v59 =	vadd.s32 $0x2100, v0;
	v6 =	vld.idx.msk [tilespmem:v54+s3+$0x0], $0xffff  }
0xbd: {  	v60 =	vadd.s32 $0x2180, v0;
	v7 =	vld.idx.msk [tilespmem:v55+s3+$0x0], $0xffff  }
0xbe: {  	v61 =	vadd.s32 $0x2200, v0;
	v8 =	vld.idx.msk [tilespmem:v56+s3+$0x0], $0xffff  }
0xbf: {  	v62 =	vadd.s32 $0x2280, v0;
	v9 =	vld.idx.msk [tilespmem:v57+s3+$0x0], $0xffff  }
0xc0: {  	v63 =	vadd.s32 $0x2300, v0;
	v10 =	vld.idx.msk [tilespmem:v58+s3+$0x0], $0xffff  }
0xc1: {  	v0 =	vadd.s32 $0x2380, v0;
	v11 =	vld.idx.msk [tilespmem:v59+s3+$0x0], $0xffff  }
0xc2: {  	v12 =	vld.idx.msk [tilespmem:v60+s3+$0x0], $0xffff  }
0xc3: {  	v13 =	vld.idx.msk [tilespmem:v61+s3+$0x0], $0xffff  }
0xc4: {  	v14 =	vld.idx.msk [tilespmem:v62+s3+$0x0], $0xffff  }
0xc5: {  	s31 =	simm.s32 $0x4C00;
	v15 =	vld.idx.msk [tilespmem:v63+s3+$0x0], $0xffff  }
0xc6: {  	s0 =	sand.u32 $0x3F0, s0;
	v0 =	vld.idx.msk [tilespmem:v0+s3+$0x0], $0xffff;
	[tilespmem:s31+$0x0] =	vst v5  }
0xc7: {  	[tilespmem:s0+$0x5400] =	vst v1  }
0xc8: {  	[tilespmem:s0+$0x5C00] =	vst v2  }
0xc9: {  	[tilespmem:s0+$0x6400] =	vst v3  }
0xca: {  	[tilespmem:s0+$0x6C00] =	vst v4  }
0xcb: {  	[tilespmem:s0+$0x7400] =	vst v6  }
0xcc: {  	[tilespmem:s0+$0x7C00] =	vst v7  }
0xcd: {  	[tilespmem:s0+$0x8400] =	vst v8  }
0xce: {  	[tilespmem:s0+$0x8C00] =	vst v9  }
0xcf: {  	[tilespmem:s0+$0x9400] =	vst v10  }
0xd0: {  	[tilespmem:s0+$0x9C00] =	vst v11  }
0xd1: {  	[tilespmem:s0+$0xA400] =	vst v12  }
0xd2: {  	[tilespmem:s0+$0xAC00] =	vst v13  }
0xd3: {  	[tilespmem:s0+$0xB400] =	vst v14  }
0xd4: {  	[tilespmem:s0+$0xBC00] =	vst v15  }
0xd5: {  	s2 =	simm.s32 $0x4410;
	[tilespmem:s0+$0xC400] =	vst v0  }
0xd6: {  	v0 =	vld [tilespmem:s2+$0x0];
	_ =	sdelay $0x4  }
0xd7: {  	v1 =	vshll.u32 v0, $0x3  }
0xd8: {  	v0 =	vand.u32 $0x7F, v0;
	v1 =	vand.u32 $0xFFFFFC00, v1  }
0xd9: {  	v0 =	vor.u32 v0, v1  }
0xda: {  	v2 =	vor.u32 $0x80, v0  }
0xdb: {  	s1 =	simm.s32 $0x20;
	s0 =	simm.s32 $0x10;
	v1 =	vor.u32 $0x100, v0  }
.LBB2_4:
0xdc: {  	p0 =	sne.s32 s1, $0x3F0;
	v3 =	vor.u32 $0x180, v0  }
0xdd: {  	v4 =	vor.u32 $0x200, v0  }
0xde: {  	v6 =	vor.u32 $0x280, v0;
	v5 =	vld.idx.msk [tilespmem:v0+s3+$0x0], $0xffff  }
0xdf: {  	v7 =	vor.u32 $0x300, v0;
	v2 =	vld.idx.msk [tilespmem:v2+s3+$0x0], $0xffff  }
0xe0: {  	v8 =	vor.u32 $0x380, v0;
	v1 =	vld.idx.msk [tilespmem:v1+s3+$0x0], $0xffff  }
0xe1: {  	v9 =	vadd.s32 $0x2000, v0;
	v3 =	vld.idx.msk [tilespmem:v3+s3+$0x0], $0xffff  }
0xe2: {  	v10 =	vadd.s32 $0x2080, v0;
	v4 =	vld.idx.msk [tilespmem:v4+s3+$0x0], $0xffff  }
0xe3: {  	v11 =	vadd.s32 $0x2100, v0;
	v6 =	vld.idx.msk [tilespmem:v6+s3+$0x0], $0xffff  }
0xe4: {  	v12 =	vadd.s32 $0x2180, v0;
	v7 =	vld.idx.msk [tilespmem:v7+s3+$0x0], $0xffff  }
0xe5: {  	v13 =	vadd.s32 $0x2200, v0;
	v8 =	vld.idx.msk [tilespmem:v8+s3+$0x0], $0xffff  }
0xe6: {  	v14 =	vadd.s32 $0x2280, v0;
	v9 =	vld.idx.msk [tilespmem:v9+s3+$0x0], $0xffff  }
0xe7: {  	v15 =	vadd.s32 $0x2300, v0;
	v10 =	vld.idx.msk [tilespmem:v10+s3+$0x0], $0xffff  }
0xe8: {  	v0 =	vadd.s32 $0x2380, v0;
	v11 =	vld.idx.msk [tilespmem:v11+s3+$0x0], $0xffff  }
0xe9: {  	v12 =	vld.idx.msk [tilespmem:v12+s3+$0x0], $0xffff  }
0xea: {  	v13 =	vld.idx.msk [tilespmem:v13+s3+$0x0], $0xffff  }
0xeb: {  	v14 =	vld.idx.msk [tilespmem:v14+s3+$0x0], $0xffff  }
0xec: {  	s31 =	sadd.s32 $0x10, s31;
	v15 =	vld.idx.msk [tilespmem:v15+s3+$0x0], $0xffff  }
0xed: {  	s12 =	sand.u32 $0x3F0, s0;
	s0 =	smov.u32 s1;
	v0 =	vld.idx.msk [tilespmem:v0+s3+$0x0], $0xffff;
	[tilespmem:s31+$0x0] =	vst v5  }
0xee: {  	[tilespmem:s12+$0x5400] =	vst v2  }
0xef: {  	[tilespmem:s12+$0x5C00] =	vst v1  }
0xf0: {  	[tilespmem:s12+$0x6400] =	vst v3  }
0xf1: {  	[tilespmem:s12+$0x6C00] =	vst v4  }
0xf2: {  	[tilespmem:s12+$0x7400] =	vst v6  }
0xf3: {  	[tilespmem:s12+$0x7C00] =	vst v7  }
0xf4: {  	[tilespmem:s12+$0x8400] =	vst v8  }
0xf5: {  	[tilespmem:s12+$0x8C00] =	vst v9  }
0xf6: {  	[tilespmem:s12+$0x9400] =	vst v10  }
0xf7: {  	[tilespmem:s12+$0x9C00] =	vst v11  }
0xf8: {  	[tilespmem:s12+$0xA400] =	vst v12  }
0xf9: {  	[tilespmem:s12+$0xAC00] =	vst v13  }
0xfa: {  	[tilespmem:s12+$0xB400] =	vst v14  }
0xfb: {  	[tilespmem:s12+$0xBC00] =	vst v15  }
0xfc: {  	s2 =	sadd.s32 $0x10, s2;
	[tilespmem:s12+$0xC400] =	vst v0  }
0xfd: {  	v0 =	vld [tilespmem:s2+$0x0];
	_ =	sdelay $0x4  }
.Ltmp1:
0xfe: {  	v1 =	vshll.u32 v0, $0x3;
	(pc) =	sbr.rel @p0 .LBB2_4-.Ltmp1, $4  }
0xff: {  	v0 =	vand.u32 $0x7F, v0;
	v1 =	vand.u32 $0xFFFFFC00, v1  }
0x100: {  	v0 =	vor.u32 v0, v1  }
0x101: {  	v2 =	vor.u32 $0x80, v0  }
0x102: {  	s1 =	sadd.s32 $0x10, s1;
	v1 =	vor.u32 $0x100, v0  }
0x103: {  	_ =	sdelay $0x1  }
0x104: {  	v3 =	vor.u32 $0x180, v0  }
0x105: {  	v4 =	vor.u32 $0x200, v0  }
0x106: {  	v5 =	vld.idx.msk [tilespmem:v0+s3+$0x0], $0xffff;
	v6 =	vor.u32 $0x280, v0  }
0x107: {  	v2 =	vld.idx.msk [tilespmem:v2+s3+$0x0], $0xffff;
	v7 =	vor.u32 $0x300, v0  }
0x108: {  	v1 =	vld.idx.msk [tilespmem:v1+s3+$0x0], $0xffff;
	v8 =	vor.u32 $0x380, v0  }
0x109: {  	v9 =	vadd.s32 $0x2000, v0;
	v3 =	vld.idx.msk [tilespmem:v3+s3+$0x0], $0xffff  }
0x10a: {  	v10 =	vadd.s32 $0x2080, v0;
	v4 =	vld.idx.msk [tilespmem:v4+s3+$0x0], $0xffff  }
0x10b: {  	v11 =	vadd.s32 $0x2100, v0;
	v6 =	vld.idx.msk [tilespmem:v6+s3+$0x0], $0xffff  }
0x10c: {  	v12 =	vadd.s32 $0x2180, v0;
	v7 =	vld.idx.msk [tilespmem:v7+s3+$0x0], $0xffff  }
0x10d: {  	v13 =	vadd.s32 $0x2200, v0;
	v8 =	vld.idx.msk [tilespmem:v8+s3+$0x0], $0xffff  }
0x10e: {  	v14 =	vadd.s32 $0x2280, v0;
	v9 =	vld.idx.msk [tilespmem:v9+s3+$0x0], $0xffff  }
0x10f: {  	v15 =	vadd.s32 $0x2300, v0;
	v10 =	vld.idx.msk [tilespmem:v10+s3+$0x0], $0xffff  }
0x110: {  	v63 =	vadd.s32 $0x2380, v0;
	v11 =	vld.idx.msk [tilespmem:v11+s3+$0x0], $0xffff  }
0x111: {  	v12 =	vld.idx.msk [tilespmem:v12+s3+$0x0], $0xffff  }
0x112: {  	v13 =	vld.idx.msk [tilespmem:v13+s3+$0x0], $0xffff  }
0x113: {  	v14 =	vld.idx.msk [tilespmem:v14+s3+$0x0], $0xffff  }
0x114: {  	s1 =	sadd.s32 $0x10, s31;
	v15 =	vld.idx.msk [tilespmem:v15+s3+$0x0], $0xffff  }
0x115: {  	s0 =	sand.u32 $0x3F0, s0;
	v0 =	vld.idx.msk [tilespmem:v63+s3+$0x0], $0xffff;
	[tilespmem:s1+$0x0] =	vst v5  }
0x116: {  	[tilespmem:s0+$0x5400] =	vst v2  }
0x117: {  	[tilespmem:s0+$0x5C00] =	vst v1  }
0x118: {  	[tilespmem:s0+$0x6400] =	vst v3  }
0x119: {  	[tilespmem:s0+$0x6C00] =	vst v4  }
0x11a: {  	[tilespmem:s0+$0x7400] =	vst v6  }
0x11b: {  	[tilespmem:s0+$0x7C00] =	vst v7  }
0x11c: {  	[tilespmem:s0+$0x8400] =	vst v8  }
0x11d: {  	[tilespmem:s0+$0x8C00] =	vst v9  }
0x11e: {  	[tilespmem:s0+$0x9400] =	vst v10  }
0x11f: {  	[tilespmem:s0+$0x9C00] =	vst v11  }
0x120: {  	[tilespmem:s0+$0xA400] =	vst v12  }
0x121: {  	[tilespmem:s0+$0xAC00] =	vst v13  }
0x122: {  	[tilespmem:s0+$0xB400] =	vst v14  }
0x123: {  	[tilespmem:s0+$0xBC00] =	vst v15  }
0x124: {  	s31 =	simm.s32 $0x4C00;
	[tilespmem:s0+$0xC400] =	vst v0  }
0x125: {  	[hbm4b:s6+s3] =	stream.linear.scatter [tilespmem:s31], [sflag:$0x4], $0x400, $0x38;
	[tilespmem:$0xC800] =	vst v63  }
0x126: {  	s2 =	simm.s32 $0x5400;
	s1 =	sadd.s32 $0x2000, s6  }
0x127: {  	[hbm4b:s1+s3] =	stream.linear.scatter [tilespmem:s2], [sflag:$0x4], $0x400, $0x38;
	[tilespmem:$0xC800] =	vst v63  }
0x128: {  	s12 =	sadd.s32 $0x4000, s6;
	s31 =	simm.s32 $0x5C00  }
0x129: {  	[hbm4b:s12+s3] =	stream.linear.scatter [tilespmem:s31], [sflag:$0x4], $0x400, $0x38;
	[tilespmem:$0xC800] =	vst v63  }
0x12a: {  	s1 =	sadd.s32 $0x6000, s6;
	s2 =	simm.s32 $0x6400  }
0x12b: {  	[hbm4b:s1+s3] =	stream.linear.scatter [tilespmem:s2], [sflag:$0x4], $0x400, $0x38;
	[tilespmem:$0xC800] =	vst v63  }
0x12c: {  	s12 =	sadd.s32 $0x8000, s6;
	s31 =	simm.s32 $0x6C00  }
0x12d: {  	[hbm4b:s12+s3] =	stream.linear.scatter [tilespmem:s31], [sflag:$0x4], $0x400, $0x38;
	[tilespmem:$0xC800] =	vst v63  }
0x12e: {  	s2 =	sadd.s32 $0xA000, s6  }
0x12f: {  	[hbm4b:s2+s3] =	stream.linear.scatter [tilespmem:s14], [sflag:$0x4], $0x400, $0x38;
	[tilespmem:$0xC800] =	vst v63  }
0x130: {  	s12 =	sadd.s32 $0xC000, s6  }
0x131: {  	[hbm4b:s12+s3] =	stream.linear.scatter [tilespmem:s16], [sflag:$0x4], $0x400, $0x38;
	[tilespmem:$0xC800] =	vst v63  }
0x132: {  	s31 =	sadd.s32 $0xE000, s6  }
0x133: {  	[hbm4b:s31+s3] =	stream.linear.scatter [tilespmem:s18], [sflag:$0x4], $0x400, $0x38;
	[tilespmem:$0xC800] =	vst v63  }
0x134: {  	s1 =	sadd.s32 $0x10000, s6  }
0x135: {  	[hbm4b:s1+s3] =	stream.linear.scatter [tilespmem:s19], [sflag:$0x4], $0x400, $0x38;
	[tilespmem:$0xC800] =	vst v63  }
0x136: {  	s2 =	sadd.s32 $0x12000, s6  }
0x137: {  	[hbm4b:s2+s3] =	stream.linear.scatter [tilespmem:s20], [sflag:$0x4], $0x400, $0x38;
	[tilespmem:$0xC800] =	vst v63  }
0x138: {  	s12 =	sadd.s32 $0x14000, s6  }
0x139: {  	[hbm4b:s12+s3] =	stream.linear.scatter [tilespmem:s21], [sflag:$0x4], $0x400, $0x38;
	[tilespmem:$0xC800] =	vst v63  }
0x13a: {  	s31 =	sadd.s32 $0x16000, s6  }
0x13b: {  	[hbm4b:s31+s3] =	stream.linear.scatter [tilespmem:s22], [sflag:$0x4], $0x400, $0x38;
	[tilespmem:$0xC800] =	vst v63  }
0x13c: {  	s1 =	sadd.s32 $0x18000, s6  }
0x13d: {  	[hbm4b:s1+s3] =	stream.linear.scatter [tilespmem:s23], [sflag:$0x4], $0x400, $0x38;
	[tilespmem:$0xC800] =	vst v63  }
0x13e: {  	s2 =	sadd.s32 $0x1A000, s6  }
0x13f: {  	[hbm4b:s2+s3] =	stream.linear.scatter [tilespmem:s24], [sflag:$0x4], $0x400, $0x38;
	[tilespmem:$0xC800] =	vst v63  }
0x140: {  	s12 =	sadd.s32 $0x1C000, s6  }
0x141: {  	[hbm4b:s12+s3] =	stream.linear.scatter [tilespmem:s25], [sflag:$0x4], $0x400, $0x38;
	[tilespmem:$0xC800] =	vst v63  }
0x142: {  	s30 =	sadd.s32 $0x1, s30;
	s31 =	sadd.s32 $0x1E000, s6  }
0x143: {  	[hbm4b:s31+s3] =	stream.linear.scatter [tilespmem:s26], [sflag:$0x4], $0x400, $0x38;
	[tilespmem:$0xC800] =	vst v63  }
0x144: {  	p0 =	sne.s32 s30, s7;
	_ =	swait.ge [sflag:s28], $0x4000  }
.Ltmp2:
0x145: {  	[sflag:s28] =	ssyncset.done $0x0;
	(pc) =	sbr.rel @p0 .LBB2_1-.Ltmp2, $4  }
0x146: {  	[sflag:s28] =	ssyncadd.s32 $0xFFFFC000  }
0x147: {  	_ =	swait.ge [sflag:s29], $0x4000  }
0x148: {  	[sflag:s29] =	ssyncset.done $0x0  }
0x149: {  	[sflag:s29] =	ssyncadd.s32 $0xFFFFC000  }
0x14a: {  	_ =	sfence.sel $0x180000  }
0x14b: {  	[bflag:$0x0] =	sbarrier.arrive $0xFFFF  }
0x14c: {  	_ =	strace $0x90000047  }
0x14d: {  	s0 =	stileid.u32;
	[bflag:$0x2] =	sbarrier.arrive $0xFFFF  }
0x14e: {  	p0 =	sne.s32 s0, $0x0;
	s0 =	rddreg [dreg:$0x3]  }
0x14f: {  	s0 =	sadd.s32 @!p0 $0x100000, s0  }
0x150: {  	[sflag:s0] =	ssyncadd.tile.s32 @!p0 $0x1;
	_ =	shalt  }
.Lfunc_end2:
_tile_overlayer_lowered:
.L_overlay_start_2:
0x151: {  	(tag) =	ssettag $0x2  }
0x152: {  	s0 =	rddreg [dreg:$0x0];
	s2 =	stileid.u32  }
0x153: {  	s1 =	rddreg [dreg:$0x1];
	p0 =	sne.s32 s2, $0x0  }
0x154: {  	s3 =	rddreg [dreg:$0x2];
	[bflag:$0x3] =	sbarrier.arrive $0xFFFF;
	s2 =	simm.s32 @!p0 $0x1C05  }
0x155: {  	[timem:s3], [sflag:s2] =	dma.local @!p0 [hbm:s0], s1  }
0x156: {  	s0 =	simm.s32 @!p0 $0x5  }
0x157: {  	_ =	swait.ge @!p0 [sflag:s0], s1  }
0x158: {  	s1 =	ssub.s32 @!p0 $0x0, s1;
	[sflag:s0] =	ssyncset.done @!p0 $0x0  }
0x159: {  	[sflag:s0] =	ssyncadd.s32 @!p0 s1  }
0x15a: {  	[bflag:$0x3] =	sbarrier.arrive $0xFFFF  }
0x15b: {  	_ =	shalt  }

</sc_bundles>
